<compile_context>
chip_gen: v7x
topology: tpu7x:2x2x1
jax: 0.10.2.dev20260603
libtpu: 0.0.44.dev20260713+nightly
codegen_flags: <defaults>
</compile_context>

<pallas_src>
import jax
import jax.numpy as jnp
from jax import lax
from jax.experimental import pallas as pl
from jax.experimental.pallas import tpu as pltpu
from jax.experimental.pallas import tpu_sc as plsc

T = 2048
H = 1024
DFF = 2048
K = 2
E = 8
TILE_M = 128
NT = (T * K) // TILE_M + E
P = NT * TILE_M
NC, NS = 2, 16
NW = NC * NS

_f32 = jnp.float32
_bf16 = jnp.bfloat16
_i32 = jnp.int32


def _gate_body(hs_ref, wgate_ref, scores_ref, dest_ref, te_ref, oh_scr, c_scr):
    hs = hs_ref[...]
    logits = lax.dot_general(hs, wgate_ref[...], (((1,), (1,)), ((), ())),
                             preferred_element_type=_f32)
    col = lax.broadcasted_iota(_i32, (T, E), 1)
    a1 = jnp.argmax(logits, axis=1)
    oh0 = col == a1[:, None]
    masked = jnp.where(oh0, -jnp.inf, logits)
    a2 = jnp.argmax(masked, axis=1)
    oh1 = col == a2[:, None]
    m1 = jnp.max(logits, axis=1, keepdims=True)
    m2 = jnp.max(masked, axis=1, keepdims=True)
    e2 = jnp.exp(m2 - m1)
    denom = 1.0 + e2
    scores_ref[:, 0:1] = 1.0 / denom
    scores_ref[:, 1:2] = e2 / denom

    oh_scr[...] = (oh0 | oh1).astype(_bf16)
    tri = (lax.broadcasted_iota(_i32, (TILE_M, TILE_M), 0)
           > lax.broadcasted_iota(_i32, (TILE_M, TILE_M), 1)).astype(_bf16)

    def body(i, carry):
        blk = oh_scr[pl.ds(i * TILE_M, TILE_M), :]
        cb = lax.dot_general(tri, blk, (((1,), (0,)), ((), ())),
                             preferred_element_type=_f32)
        c_scr[pl.ds(i * TILE_M, TILE_M), :] = cb + carry
        return carry + jnp.sum(blk.astype(_f32), axis=0, keepdims=True)

    counts = lax.fori_loop(0, T // TILE_M, body, jnp.zeros((1, E), _f32))

    pad = (((counts.astype(_i32) + (TILE_M - 1)) // TILE_M) * TILE_M)
    padf = pad.astype(_f32)
    m8 = (lax.broadcasted_iota(_i32, (E, E), 0)
          < lax.broadcasted_iota(_i32, (E, E), 1)).astype(_f32)
    ps = lax.dot_general(padf, m8, (((1,), (0,)), ((), ())),
                         preferred_element_type=_f32)
    pe = ps + padf

    base_all = ps + c_scr[...]
    d0 = jnp.sum(oh0.astype(_f32) * base_all, axis=1)
    d1 = jnp.sum(oh1.astype(_f32) * base_all, axis=1)
    dest_ref[:, 0:1] = d0[:, None].astype(_i32)
    dest_ref[:, 1:2] = d1[:, None].astype(_i32)

    tstart = 128 * (lax.broadcasted_iota(_i32, (8, 128), 0) * 128
                    + lax.broadcasted_iota(_i32, (8, 128), 1))
    te = jnp.zeros((8, 128), _i32)
    for e in range(E):
        pe_e = lax.slice(pe, (0, e), (1, e + 1)).astype(_i32)
        te += (pe_e <= tstart).astype(_i32)
    te_ref[...] = jnp.minimum(te, E - 1)


def _gate_call(hidden_states, w_gate):
    return pl.pallas_call(
        _gate_body,
        out_shape=[
            jax.ShapeDtypeStruct((T, K), _f32),
            jax.ShapeDtypeStruct((T, K), _i32),
            jax.ShapeDtypeStruct((8, 128), _i32),
        ],
        scratch_shapes=[
            pltpu.VMEM((T, E), _bf16),
            pltpu.VMEM((T, E), _f32),
        ],
    )(hidden_states, w_gate)


def _sc_mesh():
    return plsc.VectorSubcoreMesh(
        core_axis_name="c", subcore_axis_name="s", num_cores=NC)


_DISP_W = T // NW


def _dispatch_call(hs, d0, d1):
    @pl.kernel(
        out_type=jax.ShapeDtypeStruct((P, H), _f32),
        mesh=_sc_mesh(),
        scratch_types=[
            pltpu.VMEM((_DISP_W,), _i32),
            pltpu.VMEM((_DISP_W, H), _f32),
        ],
    )
    def disp(hs_hbm, d0_hbm, d1_hbm, xpad_hbm, idx_v, rows_v):
        wid = lax.axis_index("s") * NC + lax.axis_index("c")
        base = wid * _DISP_W
        for idx_hbm in (d0_hbm, d1_hbm):
            pltpu.sync_copy(hs_hbm.at[pl.ds(base, _DISP_W)], rows_v)
            pltpu.sync_copy(idx_hbm.at[pl.ds(base, _DISP_W)], idx_v)
            pltpu.sync_copy(rows_v, xpad_hbm.at[idx_v])

    return disp(hs, d0, d1)


_GATH_W = 64
_GATH_STEPS = (T * K) // (NW * _GATH_W)


def _gather_call(y_pad, dflat):
    @pl.kernel(
        out_type=jax.ShapeDtypeStruct((T * K, H), _f32),
        mesh=_sc_mesh(),
        scratch_types=[
            pltpu.VMEM((_GATH_W,), _i32),
            pltpu.VMEM((_GATH_W, H), _f32),
        ],
    )
    def gath(ypad_hbm, dflat_hbm, out_hbm, idx_v, rows_v):
        wid = lax.axis_index("s") * NC + lax.axis_index("c")
        for c in range(_GATH_STEPS):
            base = wid * (_GATH_W * _GATH_STEPS) + c * _GATH_W
            pltpu.sync_copy(dflat_hbm.at[pl.ds(base, _GATH_W)], idx_v)
            pltpu.sync_copy(ypad_hbm.at[idx_v], rows_v)
            pltpu.sync_copy(rows_v, out_hbm.at[pl.ds(base, _GATH_W)])

    return gath(y_pad, dflat)


def _ffn_body(eid_ref, x_ref, wg_ref, wu_ref, w2_ref, y_ref):
    x = x_ref[...].astype(_bf16)
    g = lax.dot_general(x, wg_ref[0], (((1,), (0,)), ((), ())),
                        preferred_element_type=_f32)
    u = lax.dot_general(x, wu_ref[0], (((1,), (0,)), ((), ())),
                        preferred_element_type=_f32)
    h = (g * jax.nn.sigmoid(g) * u).astype(_bf16)
    y_ref[...] = lax.dot_general(h, w2_ref[0], (((1,), (0,)), ((), ())),
                                 preferred_element_type=_f32)


def _ffn_call(te, x_pad, wg_b, wu_b, w2_b):
    grid_spec = pltpu.PrefetchScalarGridSpec(
        num_scalar_prefetch=1,
        grid=(NT,),
        in_specs=[
            pl.BlockSpec((TILE_M, H), lambda i, eid: (i, 0)),
            pl.BlockSpec((1, H, DFF), lambda i, eid: (eid[i], 0, 0)),
            pl.BlockSpec((1, H, DFF), lambda i, eid: (eid[i], 0, 0)),
            pl.BlockSpec((1, DFF, H), lambda i, eid: (eid[i], 0, 0)),
        ],
        out_specs=pl.BlockSpec((TILE_M, H), lambda i, eid: (i, 0)),
    )
    return pl.pallas_call(
        _ffn_body,
        grid_spec=grid_spec,
        out_shape=jax.ShapeDtypeStruct((P, H), _f32),
    )(te, x_pad, wg_b, wu_b, w2_b)


def _combine_body(g_ref, s_ref, o_ref):
    o_ref[...] = (g_ref[:, :H] * s_ref[:, 0:1]
                  + g_ref[:, H:] * s_ref[:, 1:2])


def _combine_call(g2, scores):
    return pl.pallas_call(
        _combine_body,
        grid=(T // TILE_M,),
        in_specs=[
            pl.BlockSpec((TILE_M, K * H), lambda i: (i, 0)),
            pl.BlockSpec((TILE_M, K), lambda i: (i, 0)),
        ],
        out_specs=pl.BlockSpec((TILE_M, H), lambda i: (i, 0)),
        out_shape=jax.ShapeDtypeStruct((T, H), _f32),
    )(g2, scores)


def kernel(hidden_states, W_gate, Wg, Wu, W2):
    scores, dest, te8 = _gate_call(hidden_states, W_gate)
    te = te8.reshape(-1)[:NT]
    d0 = dest[:, 0]
    d1 = dest[:, 1]
    dflat = dest.reshape(-1)
    x_pad = _dispatch_call(hidden_states, d0, d1)
    wg_b = Wg.astype(_bf16)
    wu_b = Wu.astype(_bf16)
    w2_b = W2.astype(_bf16)
    y_pad = _ffn_call(te, x_pad, wg_b, wu_b, w2_b)
    g = _gather_call(y_pad, dflat)
    g2 = g.reshape(T, K * H)
    return _combine_call(g2, scores)

# --- scband reference (transcript-rebuilt; emitter-appended) ---
"""Pipeline reference for scband-mo-epackage-layer-2164663517797 (READ-ONLY COPY).

The authoritative reference and input builder live on the scoring server;
editing this copy changes nothing except your own understanding.
"""

import jax, jax.numpy as jnp
import numpy as np

T = 2048          # max_tokens_per_step (batch*seq)
H = 1024          # d_model
DFF = 2048        # d_ffn
K = 2             # top_k
NUM_EP_RANKS = 8
EPR = 8           # experts_per_rank = num_experts // num_ep_ranks
E_LOCAL = 8       # num_local_experts = max(experts_per_rank, top_k)


def setup_inputs(seed: int = 0) -> dict:
    key = jax.random.key(seed)
    ks = jax.random.split(key, 5)
    hidden_states = jax.random.normal(ks[0], (T, H), dtype=jnp.float32)
    # gate: nn.Linear(d_model, num_local_experts, bias=False) -> weight [E_local, H]
    W_gate = jax.random.normal(ks[1], (E_LOCAL, H), dtype=jnp.float32) * 0.02
    # swiglu expert FFN weights (gate proj, up proj, down proj) per local expert
    Wg = jax.random.normal(ks[2], (E_LOCAL, H, DFF), dtype=jnp.float32) * 0.02
    Wu = jax.random.normal(ks[3], (E_LOCAL, H, DFF), dtype=jnp.float32) * 0.02
    W2 = jax.random.normal(ks[4], (E_LOCAL, DFF, H), dtype=jnp.float32) * 0.02
    return {"hidden_states": hidden_states, "W_gate": W_gate, "Wg": Wg, "Wu": Wu, "W2": W2}


def reference(hidden_states, W_gate, Wg, Wu, W2):
    # 1. Gate routing
    gate_logits = hidden_states @ W_gate.T                      # [T, E_local]
    routing_scores, expert_ids = jax.lax.top_k(gate_logits, K)  # [T, K]
    routing_scores = jax.nn.softmax(routing_scores, axis=-1)
    # 2. Fused dispatch: permute tokens to [T*K, H] (prototype: identity quant path)
    recv_tokens = jnp.repeat(hidden_states, K, axis=0)          # [T*K, H]
    recv_expert_ids = expert_ids.reshape(-1)                    # [T*K]
    local_eids = recv_expert_ids % EPR
    # 3. Expert GEMM: dropless grouped swiglu FFN per local expert
    out_tokens = jnp.zeros((T * K, H), dtype=jnp.float32)
    for e in range(EPR):
        mask = (local_eids == e)[:, None]                       # [T*K, 1]
        h = jax.nn.silu(recv_tokens @ Wg[e]) * (recv_tokens @ Wu[e])  # [T*K, DFF]
        out_tokens = jnp.where(mask, h @ W2[e], out_tokens)     # [T*K, H]
    # 4. Fused combine: unpermute + weighted reduce back to source tokens
    weighted = out_tokens.reshape(T, K, H) * routing_scores[:, :, None]
    output = weighted.sum(axis=1)                               # [T, H]
    return output

if __name__ == "__main__":
    import jax
    _d = setup_inputs()
    print(jax.jit(kernel)(*tuple(_d.values())))

</pallas_src>

<mosaic_0001>
#map = affine_map<(d0, d1) -> (0, 0)>
#map1 = affine_map<(d0, d1) -> (0)>
module attributes {stable_mosaic.version = 14 : i64} {
  func.func @gath(%arg0: i32, %arg1: i32, %arg2: memref<5120x1024xf32, #tpu.memory_space<hbm>>, %arg3: memref<4096xi32, #tpu.memory_space<hbm>>, %arg4: memref<4096x1024xf32, #tpu.memory_space<hbm>>, %arg5: memref<64xi32, #tpu.memory_space<vmem>>, %arg6: memref<64x1024xf32, #tpu.memory_space<vmem>>) attributes {dimension_semantics = [#tpu.dimension_semantics<core_parallel>, #tpu.dimension_semantics<subcore_parallel>], iteration_bounds = array<i64: 2, 16>, scalar_prefetch = 0 : i64, scratch_operands = 2 : i64, tpu.core_type = #tpu.core_type<sc_vector_subcore>, window_params = [{transform_indices = #map}, {transform_indices = #map1}, {transform_indices = #map}]} {
    %mul3A = arith.constant 2 : i32
    %mul3A_0 = arith.muli %arg1, %mul3A : i32
    %add3A = arith.addi %mul3A_0, %arg0 : i32
    %mul3A_1 = arith.constant 128 : i32
    %mul3A_2 = arith.muli %add3A, %mul3A_1 : i32
    %add3A_3 = arith.constant 0 : i32
    %add3A_4 = arith.addi %mul3A_2, %add3A_3 : i32
    "tpu.region"() ({
      %run_scoped3A = tpu.sem_alloc : memref<!tpu.dma_semaphore, #tpu.memory_space<semaphore_mem>>
      %dma_start3A = tpu.memref_slice %arg3[%add3A_4] : memref<4096xi32, #tpu.memory_space<hbm>> -> memref<64xi32, #tpu.memory_space<hbm>>
      %dma_start3A_9 = tpu.memref_slice %arg3[%add3A_4] : memref<4096xi32, #tpu.memory_space<hbm>> -> memref<64xi32, #tpu.memory_space<hbm>>
      tpu.enqueue_dma source(%dma_start3A_9 : memref<64xi32, #tpu.memory_space<hbm>>) target(%arg5 : memref<64xi32, #tpu.memory_space<vmem>>) target_semaphore(%run_scoped3A : memref<!tpu.dma_semaphore, #tpu.memory_space<semaphore_mem>>)
      %dma_wait3A = tpu.memref_slice %arg3[%add3A_4] : memref<4096xi32, #tpu.memory_space<hbm>> -> memref<64xi32, #tpu.memory_space<hbm>>
      %dma_wait3A_10 = tpu.memref_slice %arg3[%add3A_4] : memref<4096xi32, #tpu.memory_space<hbm>> -> memref<64xi32, #tpu.memory_space<hbm>>
      tpu.wait_dma2 semaphore(%run_scoped3A : memref<!tpu.dma_semaphore, #tpu.memory_space<semaphore_mem>>) src(%dma_wait3A_10 : memref<64xi32, #tpu.memory_space<hbm>>) dst(%arg5 : memref<64xi32, #tpu.memory_space<vmem>>)
      tpu.yield
    }) : () -> ()
    "tpu.region"() ({
      %run_scoped3A = tpu.sem_alloc : memref<!tpu.dma_semaphore, #tpu.memory_space<semaphore_mem>>
      %dma_start3A = arith.constant 0 : i32
      %dma_start3A_9 = arith.constant 0 : i32
      %dma_start3A_10 = tpu.memref_slice %arg2[%dma_start3A, %dma_start3A_9] : memref<5120x1024xf32, #tpu.memory_space<hbm>> -> memref<5120x1024xf32, #tpu.memory_space<hbm>>
      tpu.enqueue_indirect_dma source(%dma_start3A_10 : memref<5120x1024xf32, #tpu.memory_space<hbm>>) target(%arg6 : memref<64x1024xf32, #tpu.memory_space<vmem>>) offsets(%arg5 : memref<64xi32, #tpu.memory_space<vmem>>) semaphore(%run_scoped3A : memref<!tpu.dma_semaphore, #tpu.memory_space<semaphore_mem>>)
      %dma_wait3A = arith.constant 0 : i32
      %dma_wait3A_11 = arith.constant 0 : i32
      %dma_wait3A_12 = tpu.memref_slice %arg2[%dma_wait3A, %dma_wait3A_11] : memref<5120x1024xf32, #tpu.memory_space<hbm>> -> memref<5120x1024xf32, #tpu.memory_space<hbm>>
      tpu.wait_indirect_dma semaphore(%run_scoped3A : memref<!tpu.dma_semaphore, #tpu.memory_space<semaphore_mem>>) src(%dma_wait3A_12 : memref<5120x1024xf32, #tpu.memory_space<hbm>>) dst(%arg6 : memref<64x1024xf32, #tpu.memory_space<vmem>>)
      tpu.yield
    }) : () -> ()
    "tpu.region"() ({
      %run_scoped3A = tpu.sem_alloc : memref<!tpu.dma_semaphore, #tpu.memory_space<semaphore_mem>>
      %dma_start3A = arith.constant 0 : i32
      %dma_start3A_9 = tpu.memref_slice %arg4[%add3A_4, %dma_start3A] : memref<4096x1024xf32, #tpu.memory_space<hbm>> -> memref<64x1024xf32, #tpu.memory_space<hbm>>
      %dma_start3A_10 = arith.constant 0 : i32
      %dma_start3A_11 = tpu.memref_slice %arg4[%add3A_4, %dma_start3A_10] : memref<4096x1024xf32, #tpu.memory_space<hbm>> -> memref<64x1024xf32, #tpu.memory_space<hbm>>
      tpu.enqueue_dma source(%arg6 : memref<64x1024xf32, #tpu.memory_space<vmem>>) target(%dma_start3A_11 : memref<64x1024xf32, #tpu.memory_space<hbm>>) target_semaphore(%run_scoped3A : memref<!tpu.dma_semaphore, #tpu.memory_space<semaphore_mem>>)
      %dma_wait3A = arith.constant 0 : i32
      %dma_wait3A_12 = tpu.memref_slice %arg4[%add3A_4, %dma_wait3A] : memref<4096x1024xf32, #tpu.memory_space<hbm>> -> memref<64x1024xf32, #tpu.memory_space<hbm>>
      %dma_wait3A_13 = arith.constant 0 : i32
      %dma_wait3A_14 = tpu.memref_slice %arg4[%add3A_4, %dma_wait3A_13] : memref<4096x1024xf32, #tpu.memory_space<hbm>> -> memref<64x1024xf32, #tpu.memory_space<hbm>>
      tpu.wait_dma2 semaphore(%run_scoped3A : memref<!tpu.dma_semaphore, #tpu.memory_space<semaphore_mem>>) src(%arg6 : memref<64x1024xf32, #tpu.memory_space<vmem>>) dst(%dma_wait3A_14 : memref<64x1024xf32, #tpu.memory_space<hbm>>)
      tpu.yield
    }) : () -> ()
    %mul3A_5 = arith.constant 128 : i32
    %mul3A_6 = arith.muli %add3A, %mul3A_5 : i32
    %add3A_7 = arith.constant 64 : i32
    %add3A_8 = arith.addi %mul3A_6, %add3A_7 : i32
    "tpu.region"() ({
      %run_scoped3A = tpu.sem_alloc : memref<!tpu.dma_semaphore, #tpu.memory_space<semaphore_mem>>
      %dma_start3A = tpu.memref_slice %arg3[%add3A_8] : memref<4096xi32, #tpu.memory_space<hbm>> -> memref<64xi32, #tpu.memory_space<hbm>>
      %dma_start3A_9 = tpu.memref_slice %arg3[%add3A_8] : memref<4096xi32, #tpu.memory_space<hbm>> -> memref<64xi32, #tpu.memory_space<hbm>>
      tpu.enqueue_dma source(%dma_start3A_9 : memref<64xi32, #tpu.memory_space<hbm>>) target(%arg5 : memref<64xi32, #tpu.memory_space<vmem>>) target_semaphore(%run_scoped3A : memref<!tpu.dma_semaphore, #tpu.memory_space<semaphore_mem>>)
      %dma_wait3A = tpu.memref_slice %arg3[%add3A_8] : memref<4096xi32, #tpu.memory_space<hbm>> -> memref<64xi32, #tpu.memory_space<hbm>>
      %dma_wait3A_10 = tpu.memref_slice %arg3[%add3A_8] : memref<4096xi32, #tpu.memory_space<hbm>> -> memref<64xi32, #tpu.memory_space<hbm>>
      tpu.wait_dma2 semaphore(%run_scoped3A : memref<!tpu.dma_semaphore, #tpu.memory_space<semaphore_mem>>) src(%dma_wait3A_10 : memref<64xi32, #tpu.memory_space<hbm>>) dst(%arg5 : memref<64xi32, #tpu.memory_space<vmem>>)
      tpu.yield
    }) : () -> ()
    "tpu.region"() ({
      %run_scoped3A = tpu.sem_alloc : memref<!tpu.dma_semaphore, #tpu.memory_space<semaphore_mem>>
      %dma_start3A = arith.constant 0 : i32
      %dma_start3A_9 = arith.constant 0 : i32
      %dma_start3A_10 = tpu.memref_slice %arg2[%dma_start3A, %dma_start3A_9] : memref<5120x1024xf32, #tpu.memory_space<hbm>> -> memref<5120x1024xf32, #tpu.memory_space<hbm>>
      tpu.enqueue_indirect_dma source(%dma_start3A_10 : memref<5120x1024xf32, #tpu.memory_space<hbm>>) target(%arg6 : memref<64x1024xf32, #tpu.memory_space<vmem>>) offsets(%arg5 : memref<64xi32, #tpu.memory_space<vmem>>) semaphore(%run_scoped3A : memref<!tpu.dma_semaphore, #tpu.memory_space<semaphore_mem>>)
      %dma_wait3A = arith.constant 0 : i32
      %dma_wait3A_11 = arith.constant 0 : i32
      %dma_wait3A_12 = tpu.memref_slice %arg2[%dma_wait3A, %dma_wait3A_11] : memref<5120x1024xf32, #tpu.memory_space<hbm>> -> memref<5120x1024xf32, #tpu.memory_space<hbm>>
      tpu.wait_indirect_dma semaphore(%run_scoped3A : memref<!tpu.dma_semaphore, #tpu.memory_space<semaphore_mem>>) src(%dma_wait3A_12 : memref<5120x1024xf32, #tpu.memory_space<hbm>>) dst(%arg6 : memref<64x1024xf32, #tpu.memory_space<vmem>>)
      tpu.yield
    }) : () -> ()
    "tpu.region"() ({
      %run_scoped3A = tpu.sem_alloc : memref<!tpu.dma_semaphore, #tpu.memory_space<semaphore_mem>>
      %dma_start3A = arith.constant 0 : i32
      %dma_start3A_9 = tpu.memref_slice %arg4[%add3A_8, %dma_start3A] : memref<4096x1024xf32, #tpu.memory_space<hbm>> -> memref<64x1024xf32, #tpu.memory_space<hbm>>
      %dma_start3A_10 = arith.constant 0 : i32
      %dma_start3A_11 = tpu.memref_slice %arg4[%add3A_8, %dma_start3A_10] : memref<4096x1024xf32, #tpu.memory_space<hbm>> -> memref<64x1024xf32, #tpu.memory_space<hbm>>
      tpu.enqueue_dma source(%arg6 : memref<64x1024xf32, #tpu.memory_space<vmem>>) target(%dma_start3A_11 : memref<64x1024xf32, #tpu.memory_space<hbm>>) target_semaphore(%run_scoped3A : memref<!tpu.dma_semaphore, #tpu.memory_space<semaphore_mem>>)
      %dma_wait3A = arith.constant 0 : i32
      %dma_wait3A_12 = tpu.memref_slice %arg4[%add3A_8, %dma_wait3A] : memref<4096x1024xf32, #tpu.memory_space<hbm>> -> memref<64x1024xf32, #tpu.memory_space<hbm>>
      %dma_wait3A_13 = arith.constant 0 : i32
      %dma_wait3A_14 = tpu.memref_slice %arg4[%add3A_8, %dma_wait3A_13] : memref<4096x1024xf32, #tpu.memory_space<hbm>> -> memref<64x1024xf32, #tpu.memory_space<hbm>>
      tpu.wait_dma2 semaphore(%run_scoped3A : memref<!tpu.dma_semaphore, #tpu.memory_space<semaphore_mem>>) src(%arg6 : memref<64x1024xf32, #tpu.memory_space<vmem>>) dst(%dma_wait3A_14 : memref<64x1024xf32, #tpu.memory_space<hbm>>)
      tpu.yield
    }) : () -> ()
    return
  }
}

#map = affine_map<(d0, d1) -> (0, 0)>
#map1 = affine_map<(d0, d1) -> (0)>
module attributes {stable_mosaic.version = 14 : i64} {
  func.func @disp(%arg0: i32, %arg1: i32, %arg2: memref<2048x1024xf32, #tpu.memory_space<hbm>>, %arg3: memref<2048xi32, #tpu.memory_space<hbm>>, %arg4: memref<2048xi32, #tpu.memory_space<hbm>>, %arg5: memref<5120x1024xf32, #tpu.memory_space<hbm>>, %arg6: memref<64xi32, #tpu.memory_space<vmem>>, %arg7: memref<64x1024xf32, #tpu.memory_space<vmem>>) attributes {dimension_semantics = [#tpu.dimension_semantics<core_parallel>, #tpu.dimension_semantics<subcore_parallel>], iteration_bounds = array<i64: 2, 16>, scalar_prefetch = 0 : i64, scratch_operands = 2 : i64, tpu.core_type = #tpu.core_type<sc_vector_subcore>, window_params = [{transform_indices = #map}, {transform_indices = #map1}, {transform_indices = #map1}, {transform_indices = #map}]} {
    %mul3A = arith.constant 2 : i32
    %mul3A_0 = arith.muli %arg1, %mul3A : i32
    %add3A = arith.addi %mul3A_0, %arg0 : i32
    %mul3A_1 = arith.constant 64 : i32
    %mul3A_2 = arith.muli %add3A, %mul3A_1 : i32
    "tpu.region"() ({
      %run_scoped3A = tpu.sem_alloc : memref<!tpu.dma_semaphore, #tpu.memory_space<semaphore_mem>>
      %dma_start3A = arith.constant 0 : i32
      %dma_start3A_3 = tpu.memref_slice %arg2[%mul3A_2, %dma_start3A] : memref<2048x1024xf32, #tpu.memory_space<hbm>> -> memref<64x1024xf32, #tpu.memory_space<hbm>>
      %dma_start3A_4 = arith.constant 0 : i32
      %dma_start3A_5 = tpu.memref_slice %arg2[%mul3A_2, %dma_start3A_4] : memref<2048x1024xf32, #tpu.memory_space<hbm>> -> memref<64x1024xf32, #tpu.memory_space<hbm>>
      tpu.enqueue_dma source(%dma_start3A_5 : memref<64x1024xf32, #tpu.memory_space<hbm>>) target(%arg7 : memref<64x1024xf32, #tpu.memory_space<vmem>>) target_semaphore(%run_scoped3A : memref<!tpu.dma_semaphore, #tpu.memory_space<semaphore_mem>>)
      %dma_wait3A = arith.constant 0 : i32
      %dma_wait3A_6 = tpu.memref_slice %arg2[%mul3A_2, %dma_wait3A] : memref<2048x1024xf32, #tpu.memory_space<hbm>> -> memref<64x1024xf32, #tpu.memory_space<hbm>>
      %dma_wait3A_7 = arith.constant 0 : i32
      %dma_wait3A_8 = tpu.memref_slice %arg2[%mul3A_2, %dma_wait3A_7] : memref<2048x1024xf32, #tpu.memory_space<hbm>> -> memref<64x1024xf32, #tpu.memory_space<hbm>>
      tpu.wait_dma2 semaphore(%run_scoped3A : memref<!tpu.dma_semaphore, #tpu.memory_space<semaphore_mem>>) src(%dma_wait3A_8 : memref<64x1024xf32, #tpu.memory_space<hbm>>) dst(%arg7 : memref<64x1024xf32, #tpu.memory_space<vmem>>)
      tpu.yield
    }) : () -> ()
    "tpu.region"() ({
      %run_scoped3A = tpu.sem_alloc : memref<!tpu.dma_semaphore, #tpu.memory_space<semaphore_mem>>
      %dma_start3A = tpu.memref_slice %arg3[%mul3A_2] : memref<2048xi32, #tpu.memory_space<hbm>> -> memref<64xi32, #tpu.memory_space<hbm>>
      %dma_start3A_3 = tpu.memref_slice %arg3[%mul3A_2] : memref<2048xi32, #tpu.memory_space<hbm>> -> memref<64xi32, #tpu.memory_space<hbm>>
      tpu.enqueue_dma source(%dma_start3A_3 : memref<64xi32, #tpu.memory_space<hbm>>) target(%arg6 : memref<64xi32, #tpu.memory_space<vmem>>) target_semaphore(%run_scoped3A : memref<!tpu.dma_semaphore, #tpu.memory_space<semaphore_mem>>)
      %dma_wait3A = tpu.memref_slice %arg3[%mul3A_2] : memref<2048xi32, #tpu.memory_space<hbm>> -> memref<64xi32, #tpu.memory_space<hbm>>
      %dma_wait3A_4 = tpu.memref_slice %arg3[%mul3A_2] : memref<2048xi32, #tpu.memory_space<hbm>> -> memref<64xi32, #tpu.memory_space<hbm>>
      tpu.wait_dma2 semaphore(%run_scoped3A : memref<!tpu.dma_semaphore, #tpu.memory_space<semaphore_mem>>) src(%dma_wait3A_4 : memref<64xi32, #tpu.memory_space<hbm>>) dst(%arg6 : memref<64xi32, #tpu.memory_space<vmem>>)
      tpu.yield
    }) : () -> ()
    "tpu.region"() ({
      %run_scoped3A = tpu.sem_alloc : memref<!tpu.dma_semaphore, #tpu.memory_space<semaphore_mem>>
      %dma_start3A = arith.constant 0 : i32
      %dma_start3A_3 = arith.constant 0 : i32
      %dma_start3A_4 = tpu.memref_slice %arg5[%dma_start3A, %dma_start3A_3] : memref<5120x1024xf32, #tpu.memory_space<hbm>> -> memref<5120x1024xf32, #tpu.memory_space<hbm>>
      tpu.enqueue_indirect_dma source(%arg7 : memref<64x1024xf32, #tpu.memory_space<vmem>>) target(%dma_start3A_4 : memref<5120x1024xf32, #tpu.memory_space<hbm>>) offsets(%arg6 : memref<64xi32, #tpu.memory_space<vmem>>) semaphore(%run_scoped3A : memref<!tpu.dma_semaphore, #tpu.memory_space<semaphore_mem>>)
      %dma_wait3A = arith.constant 0 : i32
      %dma_wait3A_5 = arith.constant 0 : i32
      %dma_wait3A_6 = tpu.memref_slice %arg5[%dma_wait3A, %dma_wait3A_5] : memref<5120x1024xf32, #tpu.memory_space<hbm>> -> memref<5120x1024xf32, #tpu.memory_space<hbm>>
      tpu.wait_indirect_dma semaphore(%run_scoped3A : memref<!tpu.dma_semaphore, #tpu.memory_space<semaphore_mem>>) src(%arg7 : memref<64x1024xf32, #tpu.memory_space<vmem>>) dst(%dma_wait3A_6 : memref<5120x1024xf32, #tpu.memory_space<hbm>>)
      tpu.yield
    }) : () -> ()
    "tpu.region"() ({
      %run_scoped3A = tpu.sem_alloc : memref<!tpu.dma_semaphore, #tpu.memory_space<semaphore_mem>>
      %dma_start3A = arith.constant 0 : i32
      %dma_start3A_3 = tpu.memref_slice %arg2[%mul3A_2, %dma_start3A] : memref<2048x1024xf32, #tpu.memory_space<hbm>> -> memref<64x1024xf32, #tpu.memory_space<hbm>>
      %dma_start3A_4 = arith.constant 0 : i32
      %dma_start3A_5 = tpu.memref_slice %arg2[%mul3A_2, %dma_start3A_4] : memref<2048x1024xf32, #tpu.memory_space<hbm>> -> memref<64x1024xf32, #tpu.memory_space<hbm>>
      tpu.enqueue_dma source(%dma_start3A_5 : memref<64x1024xf32, #tpu.memory_space<hbm>>) target(%arg7 : memref<64x1024xf32, #tpu.memory_space<vmem>>) target_semaphore(%run_scoped3A : memref<!tpu.dma_semaphore, #tpu.memory_space<semaphore_mem>>)
      %dma_wait3A = arith.constant 0 : i32
      %dma_wait3A_6 = tpu.memref_slice %arg2[%mul3A_2, %dma_wait3A] : memref<2048x1024xf32, #tpu.memory_space<hbm>> -> memref<64x1024xf32, #tpu.memory_space<hbm>>
      %dma_wait3A_7 = arith.constant 0 : i32
      %dma_wait3A_8 = tpu.memref_slice %arg2[%mul3A_2, %dma_wait3A_7] : memref<2048x1024xf32, #tpu.memory_space<hbm>> -> memref<64x1024xf32, #tpu.memory_space<hbm>>
      tpu.wait_dma2 semaphore(%run_scoped3A : memref<!tpu.dma_semaphore, #tpu.memory_space<semaphore_mem>>) src(%dma_wait3A_8 : memref<64x1024xf32, #tpu.memory_space<hbm>>) dst(%arg7 : memref<64x1024xf32, #tpu.memory_space<vmem>>)
      tpu.yield
    }) : () -> ()
    "tpu.region"() ({
      %run_scoped3A = tpu.sem_alloc : memref<!tpu.dma_semaphore, #tpu.memory_space<semaphore_mem>>
      %dma_start3A = tpu.memref_slice %arg4[%mul3A_2] : memref<2048xi32, #tpu.memory_space<hbm>> -> memref<64xi32, #tpu.memory_space<hbm>>
      %dma_start3A_3 = tpu.memref_slice %arg4[%mul3A_2] : memref<2048xi32, #tpu.memory_space<hbm>> -> memref<64xi32, #tpu.memory_space<hbm>>
      tpu.enqueue_dma source(%dma_start3A_3 : memref<64xi32, #tpu.memory_space<hbm>>) target(%arg6 : memref<64xi32, #tpu.memory_space<vmem>>) target_semaphore(%run_scoped3A : memref<!tpu.dma_semaphore, #tpu.memory_space<semaphore_mem>>)
      %dma_wait3A = tpu.memref_slice %arg4[%mul3A_2] : memref<2048xi32, #tpu.memory_space<hbm>> -> memref<64xi32, #tpu.memory_space<hbm>>
      %dma_wait3A_4 = tpu.memref_slice %arg4[%mul3A_2] : memref<2048xi32, #tpu.memory_space<hbm>> -> memref<64xi32, #tpu.memory_space<hbm>>
      tpu.wait_dma2 semaphore(%run_scoped3A : memref<!tpu.dma_semaphore, #tpu.memory_space<semaphore_mem>>) src(%dma_wait3A_4 : memref<64xi32, #tpu.memory_space<hbm>>) dst(%arg6 : memref<64xi32, #tpu.memory_space<vmem>>)
      tpu.yield
    }) : () -> ()
    "tpu.region"() ({
      %run_scoped3A = tpu.sem_alloc : memref<!tpu.dma_semaphore, #tpu.memory_space<semaphore_mem>>
      %dma_start3A = arith.constant 0 : i32
      %dma_start3A_3 = arith.constant 0 : i32
      %dma_start3A_4 = tpu.memref_slice %arg5[%dma_start3A, %dma_start3A_3] : memref<5120x1024xf32, #tpu.memory_space<hbm>> -> memref<5120x1024xf32, #tpu.memory_space<hbm>>
      tpu.enqueue_indirect_dma source(%arg7 : memref<64x1024xf32, #tpu.memory_space<vmem>>) target(%dma_start3A_4 : memref<5120x1024xf32, #tpu.memory_space<hbm>>) offsets(%arg6 : memref<64xi32, #tpu.memory_space<vmem>>) semaphore(%run_scoped3A : memref<!tpu.dma_semaphore, #tpu.memory_space<semaphore_mem>>)
      %dma_wait3A = arith.constant 0 : i32
      %dma_wait3A_5 = arith.constant 0 : i32
      %dma_wait3A_6 = tpu.memref_slice %arg5[%dma_wait3A, %dma_wait3A_5] : memref<5120x1024xf32, #tpu.memory_space<hbm>> -> memref<5120x1024xf32, #tpu.memory_space<hbm>>
      tpu.wait_indirect_dma semaphore(%run_scoped3A : memref<!tpu.dma_semaphore, #tpu.memory_space<semaphore_mem>>) src(%arg7 : memref<64x1024xf32, #tpu.memory_space<vmem>>) dst(%dma_wait3A_6 : memref<5120x1024xf32, #tpu.memory_space<hbm>>)
      tpu.yield
    }) : () -> ()
    return
  }
}

module attributes {stable_mosaic.version = 14 : i64} {
  func.func @_gate_body(%arg0: memref<2048x1024xf32, #tpu.memory_space<vmem>>, %arg1: memref<8x1024xf32, #tpu.memory_space<vmem>>, %arg2: memref<2048x2xf32, #tpu.memory_space<vmem>>, %arg3: memref<2048x2xi32, #tpu.memory_space<vmem>>, %arg4: memref<8x128xi32, #tpu.memory_space<vmem>>, %arg5: memref<2048x8xbf16, #tpu.memory_space<vmem>>, %arg6: memref<2048x8xf32, #tpu.memory_space<vmem>>) attributes {dimension_semantics = [], scalar_prefetch = 0 : i64, scratch_operands = 2 : i64, tpu.core_type = #tpu.core_type<tc>} {
    %get3A = arith.constant 0 : index
    %get3A_0 = arith.constant 0 : index
    %get3A_1 = vector.load %arg0[%get3A, %get3A_0] : memref<2048x1024xf32, #tpu.memory_space<vmem>>, vector<2048x1024xf32>
    %get3A_2 = arith.constant 0 : index
    %get3A_3 = arith.constant 0 : index
    %get3A_4 = vector.load %arg1[%get3A_2, %get3A_3] : memref<8x1024xf32, #tpu.memory_space<vmem>>, vector<8x1024xf32>
    %dot_general3A = arith.constant dense<0.000000e+00> : vector<2048x8xf32>
    %dot_general3A_5 = tpu.matmul %get3A_1, %get3A_4, %dot_general3A {dimension_numbers = #tpu.dot_dimension_numbers<[1], [1], [0], [0], [0, 0, 1, 0], [], []>, transpose_lhs_hint = false} : vector<2048x1024xf32>, vector<8x1024xf32>, vector<2048x8xf32> -> vector<2048x8xf32>
    %iota3A = tpu.iota {dimensions = array<i32: 1>} : vector<2048x8xi32>
    %argmax3A = tpu.reduce_index %dot_general3A_5 {axis = 1 : i32, kind = #tpu.reduction_kind<arg_max>} : vector<2048x8xf32> -> vector<2048xi32>
    %broadcast_in_dim3A = vector.shape_cast %argmax3A : vector<2048xi32> to vector<2048x1xi32>
    %eq3A = vector.broadcast %broadcast_in_dim3A : vector<2048x1xi32> to vector<2048x8xi32>
    %eq3A_6 = arith.cmpi eq, %iota3A, %eq3A : vector<2048x8xi32>
    %jit3A = arith.constant 0xFF800000 : f32
    %broadcast_in_dim3A_7 = vector.broadcast %jit3A : f32 to vector<2048x8xf32>
    %select_n3A = arith.select %eq3A_6, %broadcast_in_dim3A_7, %dot_general3A_5 : vector<2048x8xi1>, vector<2048x8xf32>
    %argmax3A_8 = tpu.reduce_index %select_n3A {axis = 1 : i32, kind = #tpu.reduction_kind<arg_max>} : vector<2048x8xf32> -> vector<2048xi32>
    %broadcast_in_dim3A_9 = vector.shape_cast %argmax3A_8 : vector<2048xi32> to vector<2048x1xi32>
    %eq3A_10 = vector.broadcast %broadcast_in_dim3A_9 : vector<2048x1xi32> to vector<2048x8xi32>
    %eq3A_11 = arith.cmpi eq, %iota3A, %eq3A_10 : vector<2048x8xi32>
    %reduce_max3A = arith.constant dense<0xFF800000> : vector<2048xf32>
    %reduce_max3A_12 = vector.multi_reduction <maximumf>, %dot_general3A_5, %reduce_max3A [1] : vector<2048x8xf32> to vector<2048xf32>
    %broadcast_in_dim3A_13 = vector.shape_cast %reduce_max3A_12 : vector<2048xf32> to vector<2048x1xf32>
    %reduce_max3A_14 = arith.constant dense<0xFF800000> : vector<2048xf32>
    %reduce_max3A_15 = vector.multi_reduction <maximumf>, %select_n3A, %reduce_max3A_14 [1] : vector<2048x8xf32> to vector<2048xf32>
    %broadcast_in_dim3A_16 = vector.shape_cast %reduce_max3A_15 : vector<2048xf32> to vector<2048x1xf32>
    %sub3A = arith.subf %broadcast_in_dim3A_16, %broadcast_in_dim3A_13 : vector<2048x1xf32>
    %exp3A = math.exp %sub3A : vector<2048x1xf32>
    %add3A = arith.constant 1.000000e+00 : f32
    %add3A_17 = vector.broadcast %add3A : f32 to vector<2048x1xf32>
    %add3A_18 = arith.addf %add3A_17, %exp3A : vector<2048x1xf32>
    %div3A = arith.constant 1.000000e+00 : f32
    %div3A_19 = vector.broadcast %div3A : f32 to vector<2048x1xf32>
    %div3A_20 = arith.divf %div3A_19, %add3A_18 : vector<2048x1xf32>
    %swap3A = arith.constant 0 : index
    %swap3A_21 = arith.constant 0 : index
    %swap3A_22 = vector.load %arg2[%swap3A, %swap3A_21] : memref<2048x2xf32, #tpu.memory_space<vmem>>, vector<2048x1xf32>
    tpu.vector_store %arg2[%swap3A, %swap3A_21], %div3A_20 {strides = array<i32>} : memref<2048x2xf32, #tpu.memory_space<vmem>>, vector<2048x1xf32>,
    %div3A_23 = arith.divf %exp3A, %add3A_18 : vector<2048x1xf32>
    %swap3A_24 = arith.constant 0 : index
    %swap3A_25 = arith.constant 1 : index
    %swap3A_26 = vector.load %arg2[%swap3A_24, %swap3A_25] : memref<2048x2xf32, #tpu.memory_space<vmem>>, vector<2048x1xf32>
    tpu.vector_store %arg2[%swap3A_24, %swap3A_25], %div3A_23 {strides = array<i32>} : memref<2048x2xf32, #tpu.memory_space<vmem>>, vector<2048x1xf32>,
    %or3A = arith.ori %eq3A_6, %eq3A_11 : vector<2048x8xi1>
    %convert_element_type3A = arith.extui %or3A : vector<2048x8xi1> to vector<2048x8xi32>
    %convert_element_type3A_27 = arith.sitofp %convert_element_type3A : vector<2048x8xi32> to vector<2048x8xf32>
    %convert_element_type3A_28 = arith.truncf %convert_element_type3A_27 : vector<2048x8xf32> to vector<2048x8xbf16>
    %swap3A_29 = arith.constant 0 : index
    %swap3A_30 = arith.constant 0 : index
    %swap3A_31 = vector.load %arg5[%swap3A_29, %swap3A_30] : memref<2048x8xbf16, #tpu.memory_space<vmem>>, vector<2048x8xbf16>
    tpu.vector_store %arg5[%swap3A_29, %swap3A_30], %convert_element_type3A_28 {strides = array<i32>} : memref<2048x8xbf16, #tpu.memory_space<vmem>>, vector<2048x8xbf16>,
    %iota3A_32 = tpu.iota {dimensions = array<i32: 0>} : vector<128x128xi32>
    %iota3A_33 = tpu.iota {dimensions = array<i32: 1>} : vector<128x128xi32>
    %gt3A = arith.cmpi sgt, %iota3A_32, %iota3A_33 : vector<128x128xi32>
    %convert_element_type3A_34 = arith.extui %gt3A : vector<128x128xi1> to vector<128x128xi32>
    %convert_element_type3A_35 = arith.sitofp %convert_element_type3A_34 : vector<128x128xi32> to vector<128x128xf32>
    %convert_element_type3A_36 = arith.truncf %convert_element_type3A_35 : vector<128x128xf32> to vector<128x128xbf16>
    %broadcast_in_dim3A_37 = arith.constant 0.000000e+00 : f32
    %broadcast_in_dim3A_38 = vector.broadcast %broadcast_in_dim3A_37 : f32 to vector<1x8xf32>
    %scan3A = arith.constant 0 : i32
    %scan3A_39 = arith.constant 16 : i32
    %scan3A_40 = arith.addi %scan3A, %scan3A_39 : i32
    %scan3A_41 = arith.constant 1 : i32
    %scan3A_42 = scf.for %scan3A_171 = %scan3A to %scan3A_40 step %scan3A_41 iter_args(%scan3A_172 = %broadcast_in_dim3A_38) -> (vector<1x8xf32>)  : i32 {
      %mul3A_173 = arith.constant 128 : i32
      %mul3A_174 = arith.muli %scan3A_171, %mul3A_173 : i32
      %get3A_175 = arith.index_cast %mul3A_174 : i32 to index
      %get3A_176 = arith.constant 0 : index
      %get3A_177 = vector.load %arg5[%get3A_175, %get3A_176] : memref<2048x8xbf16, #tpu.memory_space<vmem>>, vector<128x8xbf16>
      %dot_general3A_178 = arith.constant dense<0.000000e+00> : vector<128x8xf32>
      %dot_general3A_179 = tpu.matmul %convert_element_type3A_36, %get3A_177, %dot_general3A_178 {dimension_numbers = #tpu.dot_dimension_numbers<[1], [0], [0], [1], [0, 0, 1, 1], [], []>, transpose_lhs_hint = false} : vector<128x128xbf16>, vector<128x8xbf16>, vector<128x8xf32> -> vector<128x8xf32>
      %add3A_180 = vector.broadcast %scan3A_172 : vector<1x8xf32> to vector<128x8xf32>
      %add3A_181 = arith.addf %dot_general3A_179, %add3A_180 : vector<128x8xf32>
      %mul3A_182 = arith.constant 128 : i32
      %mul3A_183 = arith.muli %scan3A_171, %mul3A_182 : i32
      %swap3A_184 = arith.index_cast %mul3A_183 : i32 to index
      %swap3A_185 = arith.constant 0 : index
      %swap3A_186 = vector.load %arg6[%swap3A_184, %swap3A_185] : memref<2048x8xf32, #tpu.memory_space<vmem>>, vector<128x8xf32>
      tpu.vector_store %arg6[%swap3A_184, %swap3A_185], %add3A_181 {strides = array<i32>} : memref<2048x8xf32, #tpu.memory_space<vmem>>, vector<128x8xf32>,
      %convert_element_type3A_187 = arith.extf %get3A_177 : vector<128x8xbf16> to vector<128x8xf32>
      %reduce_sum3A_188 = arith.constant dense<0.000000e+00> : vector<8xf32>
      %reduce_sum3A_189 = vector.multi_reduction <add>, %convert_element_type3A_187, %reduce_sum3A_188 [0] : vector<128x8xf32> to vector<8xf32>
      %broadcast_in_dim3A_190 = vector.shape_cast %reduce_sum3A_189 : vector<8xf32> to vector<1x8xf32>
      %add3A_191 = arith.addf %scan3A_172, %broadcast_in_dim3A_190 : vector<1x8xf32>
      scf.yield %add3A_191 : vector<1x8xf32>
    }
    %scan3A_43 = arith.constant 16 : i32
    %convert_element_type3A_44 = arith.fptosi %scan3A_42 : vector<1x8xf32> to vector<1x8xi32>
    %add3A_45 = arith.constant 127 : i32
    %add3A_46 = vector.broadcast %add3A_45 : i32 to vector<1x8xi32>
    %add3A_47 = arith.addi %convert_element_type3A_44, %add3A_46 : vector<1x8xi32>
    %jit3A_48 = arith.constant 128 : i32
    %div3A_49 = vector.broadcast %jit3A_48 : i32 to vector<1x8xi32>
    %div3A_50 = arith.divsi %add3A_47, %div3A_49 : vector<1x8xi32>
    %sign3A = arith.constant 0 : i32
    %sign3A_51 = vector.broadcast %sign3A : i32 to vector<1x8xi32>
    %sign3A_52 = arith.cmpi sgt, %add3A_47, %sign3A_51 : vector<1x8xi32>
    %sign3A_53 = arith.extui %sign3A_52 : vector<1x8xi1> to vector<1x8xi32>
    %sign3A_54 = arith.constant 0 : i32
    %sign3A_55 = vector.broadcast %sign3A_54 : i32 to vector<1x8xi32>
    %sign3A_56 = arith.cmpi slt, %add3A_47, %sign3A_55 : vector<1x8xi32>
    %sign3A_57 = arith.extui %sign3A_56 : vector<1x8xi1> to vector<1x8xi32>
    %sign3A_58 = arith.subi %sign3A_53, %sign3A_57 : vector<1x8xi32>
    %sign3A_59 = arith.constant 0 : i32
    %sign3A_60 = arith.cmpi sgt, %jit3A_48, %sign3A_59 : i32
    %sign3A_61 = arith.extui %sign3A_60 : i1 to i32
    %sign3A_62 = arith.constant 0 : i32
    %sign3A_63 = arith.cmpi slt, %jit3A_48, %sign3A_62 : i32
    %sign3A_64 = arith.extui %sign3A_63 : i1 to i32
    %sign3A_65 = arith.subi %sign3A_61, %sign3A_64 : i32
    %ne3A = vector.broadcast %sign3A_65 : i32 to vector<1x8xi32>
    %ne3A_66 = arith.cmpi ne, %sign3A_58, %ne3A : vector<1x8xi32>
    %rem3A = vector.broadcast %jit3A_48 : i32 to vector<1x8xi32>
    %rem3A_67 = arith.remsi %add3A_47, %rem3A : vector<1x8xi32>
    %ne3A_68 = arith.constant 0 : i32
    %ne3A_69 = vector.broadcast %ne3A_68 : i32 to vector<1x8xi32>
    %ne3A_70 = arith.cmpi ne, %rem3A_67, %ne3A_69 : vector<1x8xi32>
    %and3A = arith.andi %ne3A_66, %ne3A_70 : vector<1x8xi1>
    %sub3A_71 = arith.constant 1 : i32
    %sub3A_72 = vector.broadcast %sub3A_71 : i32 to vector<1x8xi32>
    %sub3A_73 = arith.subi %div3A_50, %sub3A_72 : vector<1x8xi32>
    %select_n3A_74 = arith.select %and3A, %sub3A_73, %div3A_50 : vector<1x8xi1>, vector<1x8xi32>
    %mul3A = arith.constant 128 : i32
    %mul3A_75 = vector.broadcast %mul3A : i32 to vector<1x8xi32>
    %mul3A_76 = arith.muli %select_n3A_74, %mul3A_75 : vector<1x8xi32>
    %convert_element_type3A_77 = arith.sitofp %mul3A_76 : vector<1x8xi32> to vector<1x8xf32>
    %iota3A_78 = tpu.iota {dimensions = array<i32: 0>} : vector<8x8xi32>
    %iota3A_79 = tpu.iota {dimensions = array<i32: 1>} : vector<8x8xi32>
    %lt3A = arith.cmpi slt, %iota3A_78, %iota3A_79 : vector<8x8xi32>
    %convert_element_type3A_80 = arith.extui %lt3A : vector<8x8xi1> to vector<8x8xi32>
    %convert_element_type3A_81 = arith.sitofp %convert_element_type3A_80 : vector<8x8xi32> to vector<8x8xf32>
    %dot_general3A_82 = arith.constant dense<0.000000e+00> : vector<1x8xf32>
    %dot_general3A_83 = tpu.matmul %convert_element_type3A_77, %convert_element_type3A_81, %dot_general3A_82 {dimension_numbers = #tpu.dot_dimension_numbers<[1], [0], [0], [1], [0, 0, 1, 1], [], []>, transpose_lhs_hint = false} : vector<1x8xf32>, vector<8x8xf32>, vector<1x8xf32> -> vector<1x8xf32>
    %add3A_84 = arith.addf %dot_general3A_83, %convert_element_type3A_77 : vector<1x8xf32>
    %get3A_85 = arith.constant 0 : index
    %get3A_86 = arith.constant 0 : index
    %get3A_87 = vector.load %arg6[%get3A_85, %get3A_86] : memref<2048x8xf32, #tpu.memory_space<vmem>>, vector<2048x8xf32>
    %add3A_88 = vector.broadcast %dot_general3A_83 : vector<1x8xf32> to vector<2048x8xf32>
    %add3A_89 = arith.addf %add3A_88, %get3A_87 : vector<2048x8xf32>
    %convert_element_type3A_90 = arith.extui %eq3A_6 : vector<2048x8xi1> to vector<2048x8xi32>
    %convert_element_type3A_91 = arith.sitofp %convert_element_type3A_90 : vector<2048x8xi32> to vector<2048x8xf32>
    %mul3A_92 = arith.mulf %convert_element_type3A_91, %add3A_89 : vector<2048x8xf32>
    %reduce_sum3A = arith.constant dense<0.000000e+00> : vector<2048xf32>
    %reduce_sum3A_93 = vector.multi_reduction <add>, %mul3A_92, %reduce_sum3A [1] : vector<2048x8xf32> to vector<2048xf32>
    %convert_element_type3A_94 = arith.extui %eq3A_11 : vector<2048x8xi1> to vector<2048x8xi32>
    %convert_element_type3A_95 = arith.sitofp %convert_element_type3A_94 : vector<2048x8xi32> to vector<2048x8xf32>
    %mul3A_96 = arith.mulf %convert_element_type3A_95, %add3A_89 : vector<2048x8xf32>
    %reduce_sum3A_97 = arith.constant dense<0.000000e+00> : vector<2048xf32>
    %reduce_sum3A_98 = vector.multi_reduction <add>, %mul3A_96, %reduce_sum3A_97 [1] : vector<2048x8xf32> to vector<2048xf32>
    %broadcast_in_dim3A_99 = vector.shape_cast %reduce_sum3A_93 : vector<2048xf32> to vector<2048x1xf32>
    %convert_element_type3A_100 = arith.fptosi %broadcast_in_dim3A_99 : vector<2048x1xf32> to vector<2048x1xi32>
    %swap3A_101 = arith.constant 0 : index
    %swap3A_102 = arith.constant 0 : index
    %swap3A_103 = vector.load %arg3[%swap3A_101, %swap3A_102] : memref<2048x2xi32, #tpu.memory_space<vmem>>, vector<2048x1xi32>
    tpu.vector_store %arg3[%swap3A_101, %swap3A_102], %convert_element_type3A_100 {strides = array<i32>} : memref<2048x2xi32, #tpu.memory_space<vmem>>, vector<2048x1xi32>,
    %broadcast_in_dim3A_104 = vector.shape_cast %reduce_sum3A_98 : vector<2048xf32> to vector<2048x1xf32>
    %convert_element_type3A_105 = arith.fptosi %broadcast_in_dim3A_104 : vector<2048x1xf32> to vector<2048x1xi32>
    %swap3A_106 = arith.constant 0 : index
    %swap3A_107 = arith.constant 1 : index
    %swap3A_108 = vector.load %arg3[%swap3A_106, %swap3A_107] : memref<2048x2xi32, #tpu.memory_space<vmem>>, vector<2048x1xi32>
    tpu.vector_store %arg3[%swap3A_106, %swap3A_107], %convert_element_type3A_105 {strides = array<i32>} : memref<2048x2xi32, #tpu.memory_space<vmem>>, vector<2048x1xi32>,
    %iota3A_109 = tpu.iota {dimensions = array<i32: 0>} : vector<8x128xi32>
    %mul3A_110 = arith.constant 128 : i32
    %mul3A_111 = vector.broadcast %mul3A_110 : i32 to vector<8x128xi32>
    %mul3A_112 = arith.muli %iota3A_109, %mul3A_111 : vector<8x128xi32>
    %iota3A_113 = tpu.iota {dimensions = array<i32: 1>} : vector<8x128xi32>
    %add3A_114 = arith.addi %mul3A_112, %iota3A_113 : vector<8x128xi32>
    %mul3A_115 = arith.constant 128 : i32
    %mul3A_116 = vector.broadcast %mul3A_115 : i32 to vector<8x128xi32>
    %mul3A_117 = arith.muli %mul3A_116, %add3A_114 : vector<8x128xi32>
    %broadcast_in_dim3A_118 = arith.constant 0 : i32
    %broadcast_in_dim3A_119 = vector.broadcast %broadcast_in_dim3A_118 : i32 to vector<8x128xi32>
    %slice3A = vector.extract_strided_slice %add3A_84 {offsets = [0, 0], sizes = [1, 1], strides = [1, 1]} : vector<1x8xf32> to vector<1x1xf32>
    %convert_element_type3A_120 = arith.fptosi %slice3A : vector<1x1xf32> to vector<1x1xi32>
    %le3A = vector.broadcast %convert_element_type3A_120 : vector<1x1xi32> to vector<8x128xi32>
    %le3A_121 = arith.cmpi sle, %le3A, %mul3A_117 : vector<8x128xi32>
    %convert_element_type3A_122 = arith.extui %le3A_121 : vector<8x128xi1> to vector<8x128xi32>
    %add3A_123 = arith.addi %broadcast_in_dim3A_119, %convert_element_type3A_122 : vector<8x128xi32>
    %slice3A_124 = vector.extract_strided_slice %add3A_84 {offsets = [0, 1], sizes = [1, 1], strides = [1, 1]} : vector<1x8xf32> to vector<1x1xf32>
    %convert_element_type3A_125 = arith.fptosi %slice3A_124 : vector<1x1xf32> to vector<1x1xi32>
    %le3A_126 = vector.broadcast %convert_element_type3A_125 : vector<1x1xi32> to vector<8x128xi32>
    %le3A_127 = arith.cmpi sle, %le3A_126, %mul3A_117 : vector<8x128xi32>
    %convert_element_type3A_128 = arith.extui %le3A_127 : vector<8x128xi1> to vector<8x128xi32>
    %add3A_129 = arith.addi %add3A_123, %convert_element_type3A_128 : vector<8x128xi32>
    %slice3A_130 = vector.extract_strided_slice %add3A_84 {offsets = [0, 2], sizes = [1, 1], strides = [1, 1]} : vector<1x8xf32> to vector<1x1xf32>
    %convert_element_type3A_131 = arith.fptosi %slice3A_130 : vector<1x1xf32> to vector<1x1xi32>
    %le3A_132 = vector.broadcast %convert_element_type3A_131 : vector<1x1xi32> to vector<8x128xi32>
    %le3A_133 = arith.cmpi sle, %le3A_132, %mul3A_117 : vector<8x128xi32>
    %convert_element_type3A_134 = arith.extui %le3A_133 : vector<8x128xi1> to vector<8x128xi32>
    %add3A_135 = arith.addi %add3A_129, %convert_element_type3A_134 : vector<8x128xi32>
    %slice3A_136 = vector.extract_strided_slice %add3A_84 {offsets = [0, 3], sizes = [1, 1], strides = [1, 1]} : vector<1x8xf32> to vector<1x1xf32>
    %convert_element_type3A_137 = arith.fptosi %slice3A_136 : vector<1x1xf32> to vector<1x1xi32>
    %le3A_138 = vector.broadcast %convert_element_type3A_137 : vector<1x1xi32> to vector<8x128xi32>
    %le3A_139 = arith.cmpi sle, %le3A_138, %mul3A_117 : vector<8x128xi32>
    %convert_element_type3A_140 = arith.extui %le3A_139 : vector<8x128xi1> to vector<8x128xi32>
    %add3A_141 = arith.addi %add3A_135, %convert_element_type3A_140 : vector<8x128xi32>
    %slice3A_142 = vector.extract_strided_slice %add3A_84 {offsets = [0, 4], sizes = [1, 1], strides = [1, 1]} : vector<1x8xf32> to vector<1x1xf32>
    %convert_element_type3A_143 = arith.fptosi %slice3A_142 : vector<1x1xf32> to vector<1x1xi32>
    %le3A_144 = vector.broadcast %convert_element_type3A_143 : vector<1x1xi32> to vector<8x128xi32>
    %le3A_145 = arith.cmpi sle, %le3A_144, %mul3A_117 : vector<8x128xi32>
    %convert_element_type3A_146 = arith.extui %le3A_145 : vector<8x128xi1> to vector<8x128xi32>
    %add3A_147 = arith.addi %add3A_141, %convert_element_type3A_146 : vector<8x128xi32>
    %slice3A_148 = vector.extract_strided_slice %add3A_84 {offsets = [0, 5], sizes = [1, 1], strides = [1, 1]} : vector<1x8xf32> to vector<1x1xf32>
    %convert_element_type3A_149 = arith.fptosi %slice3A_148 : vector<1x1xf32> to vector<1x1xi32>
    %le3A_150 = vector.broadcast %convert_element_type3A_149 : vector<1x1xi32> to vector<8x128xi32>
    %le3A_151 = arith.cmpi sle, %le3A_150, %mul3A_117 : vector<8x128xi32>
    %convert_element_type3A_152 = arith.extui %le3A_151 : vector<8x128xi1> to vector<8x128xi32>
    %add3A_153 = arith.addi %add3A_147, %convert_element_type3A_152 : vector<8x128xi32>
    %slice3A_154 = vector.extract_strided_slice %add3A_84 {offsets = [0, 6], sizes = [1, 1], strides = [1, 1]} : vector<1x8xf32> to vector<1x1xf32>
    %convert_element_type3A_155 = arith.fptosi %slice3A_154 : vector<1x1xf32> to vector<1x1xi32>
    %le3A_156 = vector.broadcast %convert_element_type3A_155 : vector<1x1xi32> to vector<8x128xi32>
    %le3A_157 = arith.cmpi sle, %le3A_156, %mul3A_117 : vector<8x128xi32>
    %convert_element_type3A_158 = arith.extui %le3A_157 : vector<8x128xi1> to vector<8x128xi32>
    %add3A_159 = arith.addi %add3A_153, %convert_element_type3A_158 : vector<8x128xi32>
    %slice3A_160 = vector.extract_strided_slice %add3A_84 {offsets = [0, 7], sizes = [1, 1], strides = [1, 1]} : vector<1x8xf32> to vector<1x1xf32>
    %convert_element_type3A_161 = arith.fptosi %slice3A_160 : vector<1x1xf32> to vector<1x1xi32>
    %le3A_162 = vector.broadcast %convert_element_type3A_161 : vector<1x1xi32> to vector<8x128xi32>
    %le3A_163 = arith.cmpi sle, %le3A_162, %mul3A_117 : vector<8x128xi32>
    %convert_element_type3A_164 = arith.extui %le3A_163 : vector<8x128xi1> to vector<8x128xi32>
    %add3A_165 = arith.addi %add3A_159, %convert_element_type3A_164 : vector<8x128xi32>
    %min3A = arith.constant 7 : i32
    %min3A_166 = vector.broadcast %min3A : i32 to vector<8x128xi32>
    %min3A_167 = arith.minsi %add3A_165, %min3A_166 : vector<8x128xi32>
    %swap3A_168 = arith.constant 0 : index
    %swap3A_169 = arith.constant 0 : index
    %swap3A_170 = vector.load %arg4[%swap3A_168, %swap3A_169] : memref<8x128xi32, #tpu.memory_space<vmem>>, vector<8x128xi32>
    tpu.vector_store %arg4[%swap3A_168, %swap3A_169], %min3A_167 {strides = array<i32>} : memref<8x128xi32, #tpu.memory_space<vmem>>, vector<8x128xi32>,
    return
  }
}

module attributes {stable_mosaic.version = 14 : i64} {
  func.func @_ffn_body(%arg0: i32, %arg1: memref<40xi32, #tpu.memory_space<smem>>, %arg2: memref<128x1024xf32, #tpu.memory_space<vmem>>, %arg3: memref<1x1024x2048xbf16, #tpu.memory_space<vmem>>, %arg4: memref<1x1024x2048xbf16, #tpu.memory_space<vmem>>, %arg5: memref<1x2048x1024xbf16, #tpu.memory_space<vmem>>, %arg6: memref<128x1024xf32, #tpu.memory_space<vmem>>) attributes {dimension_semantics = [#tpu.dimension_semantics<arbitrary>], iteration_bounds = array<i64: 40>, scalar_prefetch = 1 : i64, scratch_operands = 0 : i64, tpu.core_type = #tpu.core_type<tc>, window_params = [{transform_indices = @transform_0, window_bounds = array<i64: 128, 1024>}, {transform_indices = @transform_1, window_bounds = array<i64: 1, 1024, 2048>}, {transform_indices = @transform_2, window_bounds = array<i64: 1, 1024, 2048>}, {transform_indices = @transform_3, window_bounds = array<i64: 1, 2048, 1024>}, {transform_indices = @transform_4, window_bounds = array<i64: 128, 1024>}]} {
    %get3A = arith.constant 0 : index
    %get3A_0 = arith.constant 0 : index
    %get3A_1 = vector.load %arg2[%get3A, %get3A_0] : memref<128x1024xf32, #tpu.memory_space<vmem>>, vector<128x1024xf32>
    %convert_element_type3A = arith.truncf %get3A_1 : vector<128x1024xf32> to vector<128x1024xbf16>
    %get3A_2 = arith.constant 0 : index
    %get3A_3 = arith.constant 0 : index
    %get3A_4 = arith.constant 0 : index
    %get3A_5 = vector.load %arg3[%get3A_2, %get3A_3, %get3A_4] : memref<1x1024x2048xbf16, #tpu.memory_space<vmem>>, vector<1x1024x2048xbf16>
    %get3A_6 = vector.shape_cast %get3A_5 : vector<1x1024x2048xbf16> to vector<1024x2048xbf16>
    %dot_general3A = arith.constant dense<0.000000e+00> : vector<128x2048xf32>
    %dot_general3A_7 = tpu.matmul %convert_element_type3A, %get3A_6, %dot_general3A {dimension_numbers = #tpu.dot_dimension_numbers<[1], [0], [0], [1], [0, 0, 1, 1], [], []>, transpose_lhs_hint = false} : vector<128x1024xbf16>, vector<1024x2048xbf16>, vector<128x2048xf32> -> vector<128x2048xf32>
    %get3A_8 = arith.constant 0 : index
    %get3A_9 = arith.constant 0 : index
    %get3A_10 = arith.constant 0 : index
    %get3A_11 = vector.load %arg4[%get3A_8, %get3A_9, %get3A_10] : memref<1x1024x2048xbf16, #tpu.memory_space<vmem>>, vector<1x1024x2048xbf16>
    %get3A_12 = vector.shape_cast %get3A_11 : vector<1x1024x2048xbf16> to vector<1024x2048xbf16>
    %dot_general3A_13 = arith.constant dense<0.000000e+00> : vector<128x2048xf32>
    %dot_general3A_14 = tpu.matmul %convert_element_type3A, %get3A_12, %dot_general3A_13 {dimension_numbers = #tpu.dot_dimension_numbers<[1], [0], [0], [1], [0, 0, 1, 1], [], []>, transpose_lhs_hint = false} : vector<128x1024xbf16>, vector<1024x2048xbf16>, vector<128x2048xf32> -> vector<128x2048xf32>
    %logistic3A = arith.negf %dot_general3A_7 : vector<128x2048xf32>
    %logistic3A_15 = math.exp %logistic3A : vector<128x2048xf32>
    %logistic3A_16 = arith.constant 1.000000e+00 : f32
    %logistic3A_17 = vector.broadcast %logistic3A_16 : f32 to vector<128x2048xf32>
    %logistic3A_18 = arith.addf %logistic3A_17, %logistic3A_15 : vector<128x2048xf32>
    %logistic3A_19 = arith.divf %logistic3A_17, %logistic3A_18 : vector<128x2048xf32>
    %mul3A = arith.mulf %dot_general3A_7, %logistic3A_19 : vector<128x2048xf32>
    %mul3A_20 = arith.mulf %mul3A, %dot_general3A_14 : vector<128x2048xf32>
    %convert_element_type3A_21 = arith.truncf %mul3A_20 : vector<128x2048xf32> to vector<128x2048xbf16>
    %get3A_22 = arith.constant 0 : index
    %get3A_23 = arith.constant 0 : index
    %get3A_24 = arith.constant 0 : index
    %get3A_25 = vector.load %arg5[%get3A_22, %get3A_23, %get3A_24] : memref<1x2048x1024xbf16, #tpu.memory_space<vmem>>, vector<1x2048x1024xbf16>
    %get3A_26 = vector.shape_cast %get3A_25 : vector<1x2048x1024xbf16> to vector<2048x1024xbf16>
    %dot_general3A_27 = arith.constant dense<0.000000e+00> : vector<128x1024xf32>
    %dot_general3A_28 = tpu.matmul %convert_element_type3A_21, %get3A_26, %dot_general3A_27 {dimension_numbers = #tpu.dot_dimension_numbers<[1], [0], [0], [1], [0, 0, 1, 1], [], []>, transpose_lhs_hint = false} : vector<128x2048xbf16>, vector<2048x1024xbf16>, vector<128x1024xf32> -> vector<128x1024xf32>
    %swap3A = arith.constant 0 : index
    %swap3A_29 = arith.constant 0 : index
    %swap3A_30 = vector.load %arg6[%swap3A, %swap3A_29] : memref<128x1024xf32, #tpu.memory_space<vmem>>, vector<128x1024xf32>
    tpu.vector_store %arg6[%swap3A, %swap3A_29], %dot_general3A_28 {strides = array<i32>} : memref<128x1024xf32, #tpu.memory_space<vmem>>, vector<128x1024xf32>,
    return
  }
  func.func @transform_0(%arg0: i32, %arg1: memref<40xi32, #tpu.memory_space<smem>>) -> (i32, i32) {
    %c0_i32 = arith.constant 0 : i32
    %c0_i32_0 = arith.constant 0 : i32
    return %arg0, %c0_i32 : i32, i32
  }
  func.func @transform_1(%arg0: i32, %arg1: memref<40xi32, #tpu.memory_space<smem>>) -> (i32, i32, i32) {
    %get3A = arith.index_cast %arg0 : i32 to index
    %get3A_0 = memref.load %arg1[%get3A] : memref<40xi32, #tpu.memory_space<smem>>
    %c0_i32 = arith.constant 0 : i32
    %c0_i32_1 = arith.constant 0 : i32
    %c0_i32_2 = arith.constant 0 : i32
    return %get3A_0, %c0_i32, %c0_i32_1 : i32, i32, i32
  }
  func.func @transform_2(%arg0: i32, %arg1: memref<40xi32, #tpu.memory_space<smem>>) -> (i32, i32, i32) {
    %get3A = arith.index_cast %arg0 : i32 to index
    %get3A_0 = memref.load %arg1[%get3A] : memref<40xi32, #tpu.memory_space<smem>>
    %c0_i32 = arith.constant 0 : i32
    %c0_i32_1 = arith.constant 0 : i32
    %c0_i32_2 = arith.constant 0 : i32
    return %get3A_0, %c0_i32, %c0_i32_1 : i32, i32, i32
  }
  func.func @transform_3(%arg0: i32, %arg1: memref<40xi32, #tpu.memory_space<smem>>) -> (i32, i32, i32) {
    %get3A = arith.index_cast %arg0 : i32 to index
    %get3A_0 = memref.load %arg1[%get3A] : memref<40xi32, #tpu.memory_space<smem>>
    %c0_i32 = arith.constant 0 : i32
    %c0_i32_1 = arith.constant 0 : i32
    %c0_i32_2 = arith.constant 0 : i32
    return %get3A_0, %c0_i32, %c0_i32_1 : i32, i32, i32
  }
  func.func @transform_4(%arg0: i32, %arg1: memref<40xi32, #tpu.memory_space<smem>>) -> (i32, i32) {
    %c0_i32 = arith.constant 0 : i32
    %c0_i32_0 = arith.constant 0 : i32
    return %arg0, %c0_i32 : i32, i32
  }
}

module attributes {stable_mosaic.version = 14 : i64} {
  func.func @_combine_body(%arg0: i32, %arg1: memref<128x2048xf32, #tpu.memory_space<vmem>>, %arg2: memref<128x2xf32, #tpu.memory_space<vmem>>, %arg3: memref<128x1024xf32, #tpu.memory_space<vmem>>) attributes {dimension_semantics = [#tpu.dimension_semantics<arbitrary>], iteration_bounds = array<i64: 16>, scalar_prefetch = 0 : i64, scratch_operands = 0 : i64, tpu.core_type = #tpu.core_type<tc>, window_params = [{transform_indices = @transform_0, window_bounds = array<i64: 128, 2048>}, {transform_indices = @transform_1, window_bounds = array<i64: 128, 2>}, {transform_indices = @transform_2, window_bounds = array<i64: 128, 1024>}]} {
    %get3A = arith.constant 0 : index
    %get3A_0 = arith.constant 0 : index
    %get3A_1 = vector.load %arg1[%get3A, %get3A_0] : memref<128x2048xf32, #tpu.memory_space<vmem>>, vector<128x1024xf32>
    %get3A_2 = arith.constant 0 : index
    %get3A_3 = arith.constant 0 : index
    %get3A_4 = vector.load %arg2[%get3A_2, %get3A_3] : memref<128x2xf32, #tpu.memory_space<vmem>>, vector<128x1xf32>
    %mul3A = vector.broadcast %get3A_4 : vector<128x1xf32> to vector<128x1024xf32>
    %mul3A_5 = arith.mulf %get3A_1, %mul3A : vector<128x1024xf32>
    %get3A_6 = arith.constant 0 : index
    %get3A_7 = arith.constant 1024 : index
    %get3A_8 = vector.load %arg1[%get3A_6, %get3A_7] : memref<128x2048xf32, #tpu.memory_space<vmem>>, vector<128x1024xf32>
    %get3A_9 = arith.constant 0 : index
    %get3A_10 = arith.constant 1 : index
    %get3A_11 = vector.load %arg2[%get3A_9, %get3A_10] : memref<128x2xf32, #tpu.memory_space<vmem>>, vector<128x1xf32>
    %mul3A_12 = vector.broadcast %get3A_11 : vector<128x1xf32> to vector<128x1024xf32>
    %mul3A_13 = arith.mulf %get3A_8, %mul3A_12 : vector<128x1024xf32>
    %add3A = arith.addf %mul3A_5, %mul3A_13 : vector<128x1024xf32>
    %swap3A = arith.constant 0 : index
    %swap3A_14 = arith.constant 0 : index
    %swap3A_15 = vector.load %arg3[%swap3A, %swap3A_14] : memref<128x1024xf32, #tpu.memory_space<vmem>>, vector<128x1024xf32>
    tpu.vector_store %arg3[%swap3A, %swap3A_14], %add3A {strides = array<i32>} : memref<128x1024xf32, #tpu.memory_space<vmem>>, vector<128x1024xf32>,
    return
  }
  func.func @transform_0(%arg0: i32) -> (i32, i32) {
    %c0_i32 = arith.constant 0 : i32
    %c0_i32_0 = arith.constant 0 : i32
    return %arg0, %c0_i32 : i32, i32
  }
  func.func @transform_1(%arg0: i32) -> (i32, i32) {
    %c0_i32 = arith.constant 0 : i32
    %c0_i32_0 = arith.constant 0 : i32
    return %arg0, %c0_i32 : i32, i32
  }
  func.func @transform_2(%arg0: i32) -> (i32, i32) {
    %c0_i32 = arith.constant 0 : i32
    %c0_i32_0 = arith.constant 0 : i32
    return %arg0, %c0_i32 : i32, i32
  }
}

</mosaic_0001>

<sc_bundles>
// kernel: kernel.10.cloned.1.call-start
scs
__scs_entry_jumppad:
0x0: {  	(pc) =	sbr.rel $0x88, $3  }
0x1: {  	(tag) =	ssettag $0x0;
	lr =	simm.s32 $0x1  }
0x2: {  	[smem:$0x3F9C] =	sst lr;
	_ =	strace $0xD0000000  }
0x3: {  	_ = 	snop  }
0x4: {  	_ = 	snop  }
0x5: {  	_ = 	snop  }
0x6: {  	_ = 	snop  }
0x7: {  	_ = 	snop  }
__scs_overlays_trampoline_lowered:
0x8: {  	[smem:$0x3FAB] =	sst s0  }
0x9: {  	[smem:$0x3FAC] =	sst s1  }
0xa: {  	[smem:$0x3FAD] =	sst s2  }
0xb: {  	[smem:$0x3FAE] =	sst s3  }
0xc: {  	[smem:$0x3FAF] =	sst s4  }
0xd: {  	[smem:$0x3FB0] =	sst s5  }
0xe: {  	[smem:$0x3FB1] =	sst s6  }
0xf: {  	[smem:$0x3FB2] =	sst s7  }
0x10: {  	[smem:$0x3FB3] =	sst s8  }
0x11: {  	[smem:$0x3FB4] =	sst s9;
	s0 =	simm.s32 @!p0 $0x0  }
0x12: {  	s1 =	sld [smem:$0x3F9A];
	s0 =	simm.s32 @p0 $0x1  }
0x13: {  	[smem:$0x3FB5] =	sst s0;
	s0 =	simm.s32 @!p1 $0x0  }
0x14: {  	s2 =	sld [smem:$0x3F99];
	s0 =	simm.s32 @p1 $0x1  }
0x15: {  	[smem:$0x3FB6] =	sst s0;
	s0 =	simm.s32 @!p2 $0x0  }
0x16: {  	s3 =	sld [smem:$0x3FDB];
	s0 =	simm.s32 @p2 $0x1  }
0x17: {  	s4 =	simm.s32 $0x1BF5;
	[smem:$0x3FB8] =	sst s0  }
0x18: {  	s0 =	sld [smem:$0x3F9B];
	_ =	swait.ge [sflag:s4], $0x0  }
0x19: {  	s7 =	sld [smem:$0x3F9C]  }
0x1a: {  	s8 =	sadd.s32 $0xFFFFE003, lr  }
0x1b: {  	s9 =	sadd.s32 $0xFFFFFEF7, lr;
	s5 =	simm.s32 $0xFFFFFFFF;
	p2 =	slt.u32 s8, $0xFFFFF086  }
0x1c: {  	p1 =	slt.u32 s9, $0xF7A;
	s5 =	simm.s32 @!p2 $0x0  }
0x1d: {  	s5 =	simm.s32 @p1 $0x1;
	p0 =	seq.s32 s7, s2  }
0x1e: {  	s7 =	smul.u32 @!p0 $0xF7A, s2;
	p2 =	seq.s32 @!p0 s5, $0x0  }
0x1f: {  	s9 =	smul.u32 $0xF7A, s1;
	s8 =	simm.s32 @!p0 $0x1BF5;
	p2 =	por !p2, p0  }
0x20: {  	[sflag:s8] =	ssyncset.s32 @!p0 $0xFFFFF086;
	s6 =	sadd.s32 @!p0 s3, s7;
	s7 =	simm.s32 @!p0 $0x108  }
0x21: {  	s3 =	sadd.s32 s3, s9;
	s6 =	sadd.s32 @!p0 $0x88, s6;
	s7 =	simm.s32 @p2 $0x1082  }
0x22: {  	[simem:s7], [sflag:s8] =	dma.local @!p0 [hbm:s6], $0xF7A  }
0x23: {  	s9 =	sor.u32 $0xD0000000, s2;
	s6 =	simm.s32 $0x108;
	_ =	swait.ge @!p0 [sflag:s8], $0x0  }
0x24: {  	s3 =	sadd.s32 $0x88, s3;
	s6 =	simm.s32 @!p1 $0x1082;
	[sflag:s4] =	ssyncset.s32 $0xFFFFF086  }
0x25: {  	[simem:s6], [sflag:s4] =	dma.local [hbm:s3], $0xF7A  }
0x26: {  	[smem:$0x3F9C] =	sst s1;
	(tag) =	ssettag s2;
	_ =	strace s9  }
0x27: {  	s1 =	sld [smem:$0x3FAC]  }
0x28: {  	s2 =	sld [smem:$0x3FAD]  }
0x29: {  	s4 =	sld [smem:$0x3FAF]  }
0x2a: {  	p0 =	seq.s32 s5, $0x0;
	s5 =	sld [smem:$0x3FB0]  }
0x2b: {  	s6 =	sld [smem:$0x3FB1]  }
0x2c: {  	s7 =	sld [smem:$0x3FB2]  }
0x2d: {  	s3 =	simm.s32 $0x108;
	s8 =	sld [smem:$0x3FB3]  }
0x2e: {  	s3 =	simm.s32 @!p0 $0x1082;
	s9 =	sld [smem:$0x3FB4]  }
0x2f: {  	lr =	sadd.s32 s0, s3;
	s0 =	sld [smem:$0x3FAB]  }
0x30: {  	s3 =	sld [smem:$0x3FAE]  }
0x31: {  	[smem:$0x3FB7] =	sst s10  }
0x32: {  	s10 =	sld [smem:$0x3FB5];
	_ =	sdelay $0x3  }
0x33: {  	p0 =	seq.s32 s10, $0x1;
	s10 =	sld [smem:$0x3FB7];
	_ =	sdelay $0x3  }
0x34: {  	[smem:$0x3FB7] =	sst s10  }
0x35: {  	s10 =	sld [smem:$0x3FB6];
	_ =	sdelay $0x3  }
0x36: {  	p1 =	seq.s32 s10, $0x1;
	s10 =	sld [smem:$0x3FB7];
	_ =	sdelay $0x3  }
0x37: {  	[smem:$0x3FB7] =	sst s10  }
0x38: {  	s10 =	sld [smem:$0x3FB8]  }
0x39: {  	_ = 	snop;
	(pc) =	sbr.ind lr, $3  }
0x3a: {  	_ = 	snop  }
0x3b: {  	_ = 	snop  }
0x3c: {  	p2 =	seq.s32 s10, $0x1;
	s10 =	sld [smem:$0x3FB7]  }
0x3d: {  	_ =	shalt  }
0x3e: {  	_ =	shalt  }
0x3f: {  	_ =	shalt  }
0x40: {  	_ =	shalt  }
0x41: {  	_ =	shalt  }
0x42: {  	_ =	shalt  }
0x43: {  	_ =	shalt  }
0x44: {  	_ =	shalt  }
0x45: {  	_ =	shalt  }
0x46: {  	_ =	shalt  }
0x47: {  	_ =	shalt  }
0x48: {  	_ =	shalt  }
0x49: {  	_ =	shalt  }
0x4a: {  	_ =	shalt  }
0x4b: {  	_ =	shalt  }
0x4c: {  	_ =	shalt  }
0x4d: {  	_ =	shalt  }
0x4e: {  	_ =	shalt  }
0x4f: {  	_ =	shalt  }
0x50: {  	_ =	shalt  }
0x51: {  	_ =	shalt  }
0x52: {  	_ =	shalt  }
0x53: {  	_ =	shalt  }
0x54: {  	_ =	shalt  }
0x55: {  	_ =	shalt  }
0x56: {  	_ =	shalt  }
0x57: {  	_ =	shalt  }
0x58: {  	_ =	shalt  }
0x59: {  	_ =	shalt  }
0x5a: {  	_ =	shalt  }
0x5b: {  	_ =	shalt  }
0x5c: {  	_ =	shalt  }
0x5d: {  	_ =	shalt  }
0x5e: {  	_ =	shalt  }
0x5f: {  	_ =	shalt  }
0x60: {  	_ =	shalt  }
0x61: {  	_ =	shalt  }
0x62: {  	_ =	shalt  }
0x63: {  	_ =	shalt  }
0x64: {  	_ =	shalt  }
0x65: {  	_ =	shalt  }
0x66: {  	_ =	shalt  }
0x67: {  	_ =	shalt  }
0x68: {  	_ =	shalt  }
0x69: {  	_ =	shalt  }
0x6a: {  	_ =	shalt  }
0x6b: {  	_ =	shalt  }
0x6c: {  	_ =	shalt  }
0x6d: {  	_ =	shalt  }
0x6e: {  	_ =	shalt  }
0x6f: {  	_ =	shalt  }
0x70: {  	_ =	shalt  }
0x71: {  	_ =	shalt  }
0x72: {  	_ =	shalt  }
0x73: {  	_ =	shalt  }
0x74: {  	_ =	shalt  }
0x75: {  	_ =	shalt  }
0x76: {  	_ =	shalt  }
0x77: {  	_ =	shalt  }
0x78: {  	_ =	shalt  }
0x79: {  	_ =	shalt  }
0x7a: {  	_ =	shalt  }
0x7b: {  	_ =	shalt  }
0x7c: {  	_ =	shalt  }
0x7d: {  	_ =	shalt  }
0x7e: {  	_ =	shalt  }
0x7f: {  	_ =	shalt  }
0x80: {  	_ =	shalt  }
0x81: {  	_ =	shalt  }
0x82: {  	_ =	shalt  }
0x83: {  	_ =	shalt  }
0x84: {  	_ =	shalt  }
0x85: {  	_ =	shalt  }
0x86: {  	_ =	shalt  }
0x87: {  	_ =	shalt  }
.Lfunc_end0:
.L_simem_size_0:
called_computation.1_lowered:
.L_overlay_start_0:
0x88: {  	s2 =	sld [smem:$0x3FD9]  }
0x89: {  	s3 =	sld [smem:$0x3FFE];
	_ =	sdelay $0x1  }
0x8a: {  	s1 =	srdreg.scid  }
0x8b: {  	s0 =	sand.u32 $0x1, s1  }
0x8c: {  	s16 =	sshll.u32 s0, $0xA;
	s2 =	sadd.s32 s3, s2  }
0x8d: {  	s2 =	sadd.s32 s2, s16  }
0x8e: {  	[smem:$0x3FC3] =	sst s2  }
0x8f: {  	_ = 	snop  }
0x90: {  	(tm) =	ssettm $0x1  }
0x91: {  	s17 =	sld [smem:$0x3FFB];
	_ =	sdelay $0x3  }
0x92: {  	_ =	strace s17  }
0x93: {  	s2 =	sld [smem:$0x3FFC];
	_ =	sdelay $0x3  }
0x94: {  	_ =	strace s2  }
0x95: {  	s2 =	sld [smem:$0x3FFD];
	_ =	sdelay $0x3  }
0x96: {  	_ =	strace s2  }
0x97: {  	_ =	strace $0x8FFFFFFF  }
0x98: {  	s18 =	sld [smem:$0x3FDB];
	_ =	sdelay $0x1  }
0x99: {  	s19 =	simm.s32 $_scs_section_size  }
0x9a: {  	s4 =	simm.s32 $_size__tile_overlayer_lowered;
	s5 =	simm.s32 $_tile_overlayer_lowered  }
0x9b: {  	s22 =	simm.s32 $0x1BFF;
	s21 =	sshll.u32 s5, $0x1;
	s2 =	sadd.s32 s19, s18  }
0x9c: {  	s6 =	simm.s32 $0x0;
	s20 =	sshll.u32 s4, $0x1;
	s4 =	sadd.s32 s21, s2  }
0x9d: {  	[timem:s6], [sflag:s22] =	dma.local [hbm:s4], s20  }
0x9e: {  	_ =	swait.ge [sflag:s22], s20  }
0x9f: {  	s3 =	ssub.s32 $0x0, s20;
	[sflag:s22] =	ssyncset.done $0x0  }
0xa0: {  	[sflag:s22] =	ssyncadd.s32 s3;
	_ =	sdelay $0x1  }
0xa1: {  	s23 =	simm.s32 $0x1B8B  }
0xa2: {  	_ =	swait.ge [sflag:s23], $0x1  }
0xa3: {  	[sflag:s23] =	ssyncset.done $0x0  }
0xa4: {  	s25 =	simm.s32 $0x1B8E;
	s24 =	sld [smem:$0x3FFE];
	[sflag:s23] =	ssyncadd.s32 $0xFFFFFFFF  }
0xa5: {  	s26 =	simm.s32 $execute0_lowered;
	[smem:$0x3FD2] =	sst s25  }
0xa6: {  	s4 =	sshll.u32 s26, $0x1;
	_ =	strace $0x80000049;
	[dreg:$0x1] =	wrdreg $0xFFFFFFFF  }
0xa7: {  	s28 =	simm.s32 $_size_execute0_lowered;
	s2 =	sadd.s32 s2, s4;
	[dreg:$0x0] =	wrdreg $0x0  }
0xa8: {  	s4 =	sshll.u32 s28, $0x1;
	[dreg:$0x2] =	wrdreg s2  }
0xa9: {  	[dreg:$0x3] =	wrdreg s4  }
0xaa: {  	[dreg:$0x4] =	wrdreg $0xC0  }
0xab: {  	_ =	task [dreg:s6], $0x5FFFF  }
0xac: {  	[dreg:$0x1] =	wrdreg $0xFFFFFFFF  }
0xad: {  	[dreg:$0x0] =	wrdreg $0x60  }
0xae: {  	[dreg:$0x2] =	wrdreg s24  }
0xaf: {  	[dreg:$0x3] =	wrdreg $0x9  }
0xb0: {  	_ =	task.clear_ibuf [dreg:s6], $0x4FFFF;
	_ =	strace $0x90000049  }
0xb1: {  	s29 =	simm.s32 $0x9;
	_ =	strace $0x8000004B  }
0xb2: {  	_ =	swait.ge [sflag:s29], $0x1  }
0xb3: {  	[sflag:s29] =	ssyncadd.s32 $0xFFFFFFFF  }
0xb4: {  	_ =	strace $0x9000004B  }
0xb5: {  	_ =	sfence  }
0xb6: {  	s30 =	sld [smem:$0x0];
	_ =	sdelay $0x2  }
0xb7: {  	s31 =	sshll.u32 s1, $0xD;
	s1 =	sshrl.u32 s1, $0x2  }
0xb8: {  	s3 =	sand.u32 $0x4000, s31;
	s1 =	sadd.s32 s1, s30  }
0xb9: {  	s0 =	sor.u32 s3, s0;
	s1 =	sshll.u32 s1, $0x11  }
0xba: {  	s0 =	sor.u32 s1, s0  }
0xbb: {  	s0 =	sadd.s32 $0x8F2B, s0  }
0xbc: {  	[sflag:s0] =	ssyncadd.remote.s32 $0x1  }
0xbd: {  	_ =	sfence.sel $0xFFFF  }
0xbe: {  	[dreg:$0x0] =	wrdreg $0xFFFFFFFF;
	(pc) =	sbr.abs _section_cstart, $3  }
0xbf: {  	[dreg:$0x1] =	wrdreg $0xFFFFFFFF  }
0xc0: {  	_ =	task.clear_ibuf [dreg:s6], $0x2FFFF;
	_ =	strace $0x9FFFFFFF  }
0xc1: {  	(tm) =	ssettm $0x7FFFFFFF  }
tec
execute0_lowered:
.L_overlay_start_1:
0x0: {  	(tag) =	ssettag $0x1  }
0x1: {  	s0 =	rddreg [dreg:$0x0];
	s2 =	simm.s32 $0x0  }
0x2: {  	s1 =	srdreg.scid;
	s3 =	stileid.u32;
	s19 =	simm.s32 $0x880  }
0x3: {  	s20 =	simm.s32 $0x1080;
	s21 =	simm.s32 $0x1880;
	s28 =	simm.s32 $0x4880  }
0x4: {  	s29 =	simm.s32 $0x5080;
	s30 =	simm.s32 $0x5880;
	s31 =	simm.s32 $0x6080  }
0x5: {  	s10 =	simm.s32 $0x7880;
	s11 =	simm.s32 $0x8080;
	s12 =	simm.s32 $0x8880  }
0x6: {  	s13 =	simm.s32 $0x9080;
	s14 =	simm.s32 $0x9880;
	s15 =	simm.s32 $0xA080  }
0x7: {  	s16 =	simm.s32 $0xA880;
	s17 =	simm.s32 $0xB080;
	[smem:$0x7FF] =	sst s2  }
0x8: {  	s1 =	sand.u32 $0x1, s1;
	s4 =	sshll.u32 s3, $0x8;
	s3 =	sadd.s32 $0xC00, s0  }
0x9: {  	s22 =	sadd.s32 $0xA1000, s0;
	s8 =	sadd.s32 $0xA1200, s0;
	s5 =	sshll.u32 s1, $0x7  }
0xa: {  	_ =	strace $0x8000004A;
	s1 =	ssub.s32 $0x2, s1;
	s4 =	sor.u32 s5, s4  }
0xb: {  	s6 =	sshrl.u32 s1, $0x1;
	s5 =	sadd.s32 $0xE00, s0;
	s7 =	sshrl.u32 s4, $0x3  }
0xc: {  	s1 =	ssub.s32 s1, s6;
	s24 =	sshll.u32 s4, $0x7;
	s25 =	sor.u32 $0x40, s4  }
0xd: {  	s4 =	sadd.s32 $0xD00, s0;
	s23 =	sadd.s32 s22, s7;
	s6 =	sadd.s32 s8, s24  }
0xe: {  	s9 =	sshrl.u32 s25, $0x3;
	s7 =	sshll.u32 s25, $0x7;
	[dreg:$0x2] =	wrdreg s23  }
0xf: {  	s24 =	simm.s32 $0x3080;
	s25 =	simm.s32 $0x3880;
	[dreg:$0x3] =	wrdreg s6  }
0x10: {  	s26 =	sadd.s32 s22, s9;
	s7 =	sadd.s32 s8, s7;
	s6 =	sadd.s32 $0xF00, s0  }
0x11: {  	v2 =	vlaneseq.u32;
	s8 =	simm.s32 $0x1;
	s0 =	simm.s32 $0x80;
	s22 =	simm.s32 $0x2080  }
0x12: {  	vm0 =	vmmov $0xffff;
	v1 =	vshrl.u32 v2, $0x3;
	s23 =	simm.s32 $0x2880;
	s9 =	simm.s32 $0xB880;
	[dreg:$0x4] =	wrdreg s26  }
0x13: {  	v0 =	vand.u32 $0x7, v2;
	v2 =	vor.u32 $0x8, v2;
	v1 =	vmul.u32 $0x8, v1;
	[dreg:$0x5] =	wrdreg s7;
	s7 =	smax.u32 s1, $0x1;
	s26 =	simm.s32 $0x4080  }
.LBB2_1:
0x14: {  	s18 =	rddreg [dreg:$0x2]  }
0x15: {  	[tilespmem:s2], [sflag:$0x1] =	stream.linear.gather [hbm4b:s18+s2], $0x40, $0x38;
	[tilespmem:$0x10080] =	vst v63  }
0x16: {  	_ =	swait.ge [sflag:s8], $0x40  }
0x17: {  	[sflag:s8] =	ssyncset.done $0x0  }
0x18: {  	[sflag:s8] =	ssyncadd.s32 $0xFFFFFFC0  }
0x19: {  	v3 =	vld [tilespmem:$0x0];
	_ =	sdelay $0x4  }
0x1a: {  	v4 =	vshll.u32 v3, $0x3  }
0x1b: {  	v3 =	vand.u32 $0x7, v3;
	v4 =	vand.u32 $0xFFFFFFC0, v4  }
0x1c: {  	v3 =	vor.u32 v3, v4  }
0x1d: {  	v4 =	vperm.xlane v3, v0;
	_ =	sdelay $0x1  }
0x1e: {  	v4 =	vadd.s32 v1, v4;
	_ =	sdelay $0x4  }
0x1f: {  	[tilespmem:s0], [sflag:$0x1] =	stream.indirect_vreg.gather [hbm4b:s3+s2], $0x80, v4, vm0, $0xb8;
	[tilespmem:$0x10080] =	vst v63  }
0x20: {  	v3 =	vperm.xlane v3, v2  }
0x21: {  	[tilespmem:s19], [sflag:$0x1] =	stream.indirect_vreg.gather [hbm4b:s4+s2], $0x80, v4, vm0, $0xb8;
	[tilespmem:$0x10080] =	vst v63  }
0x22: {  	v3 =	vadd.s32 v1, v3  }
0x23: {  	[tilespmem:s20], [sflag:$0x1] =	stream.indirect_vreg.gather [hbm4b:s5+s2], $0x80, v4, vm0, $0xb8;
	[tilespmem:$0x10080] =	vst v63  }
0x24: {  	_ = 	snop  }
0x25: {  	[tilespmem:s21], [sflag:$0x1] =	stream.indirect_vreg.gather [hbm4b:s6+s2], $0x80, v4, vm0, $0xb8;
	[tilespmem:$0x10080] =	vst v63  }
0x26: {  	_ = 	snop  }
0x27: {  	[tilespmem:s22], [sflag:$0x1] =	stream.indirect_vreg.gather [hbm4b:s3+s2], $0x80, v3, vm0, $0xb8;
	[tilespmem:$0x10080] =	vst v63  }
0x28: {  	_ = 	snop  }
0x29: {  	[tilespmem:s23], [sflag:$0x1] =	stream.indirect_vreg.gather [hbm4b:s4+s2], $0x80, v3, vm0, $0xb8;
	[tilespmem:$0x10080] =	vst v63  }
0x2a: {  	_ = 	snop  }
0x2b: {  	[tilespmem:s24], [sflag:$0x1] =	stream.indirect_vreg.gather [hbm4b:s5+s2], $0x80, v3, vm0, $0xb8;
	[tilespmem:$0x10080] =	vst v63  }
0x2c: {  	_ = 	snop  }
0x2d: {  	[tilespmem:s25], [sflag:$0x1] =	stream.indirect_vreg.gather [hbm4b:s6+s2], $0x80, v3, vm0, $0xb8;
	[tilespmem:$0x10080] =	vst v63  }
0x2e: {  	v3 =	vld [tilespmem:$0x10];
	_ =	sdelay $0x4  }
0x2f: {  	v57 =	vshll.u32 v3, $0x3  }
0x30: {  	v3 =	vand.u32 $0x7, v3;
	v4 =	vand.u32 $0xFFFFFFC0, v57  }
0x31: {  	v3 =	vor.u32 v3, v4  }
0x32: {  	v4 =	vperm.xlane v3, v0;
	_ =	sdelay $0x1  }
0x33: {  	v4 =	vadd.s32 v1, v4;
	_ =	sdelay $0x4  }
0x34: {  	[tilespmem:s26], [sflag:$0x1] =	stream.indirect_vreg.gather [hbm4b:s3+s2], $0x80, v4, vm0, $0xb8;
	[tilespmem:$0x10080] =	vst v63  }
0x35: {  	v3 =	vperm.xlane v3, v2  }
0x36: {  	[tilespmem:s28], [sflag:$0x1] =	stream.indirect_vreg.gather [hbm4b:s4+s2], $0x80, v4, vm0, $0xb8;
	[tilespmem:$0x10080] =	vst v63  }
0x37: {  	v3 =	vadd.s32 v1, v3  }
0x38: {  	[tilespmem:s29], [sflag:$0x1] =	stream.indirect_vreg.gather [hbm4b:s5+s2], $0x80, v4, vm0, $0xb8;
	[tilespmem:$0x10080] =	vst v63  }
0x39: {  	_ = 	snop  }
0x3a: {  	[tilespmem:s30], [sflag:$0x1] =	stream.indirect_vreg.gather [hbm4b:s6+s2], $0x80, v4, vm0, $0xb8;
	[tilespmem:$0x10080] =	vst v63  }
0x3b: {  	_ = 	snop  }
0x3c: {  	[tilespmem:s31], [sflag:$0x1] =	stream.indirect_vreg.gather [hbm4b:s3+s2], $0x80, v3, vm0, $0xb8;
	[tilespmem:$0x10080] =	vst v63  }
0x3d: {  	s1 =	simm.s32 $0x6880  }
0x3e: {  	[tilespmem:s1], [sflag:$0x1] =	stream.indirect_vreg.gather [hbm4b:s4+s2], $0x80, v3, vm0, $0xb8;
	[tilespmem:$0x10080] =	vst v63  }
0x3f: {  	s1 =	simm.s32 $0x7080  }
0x40: {  	[tilespmem:s1], [sflag:$0x1] =	stream.indirect_vreg.gather [hbm4b:s5+s2], $0x80, v3, vm0, $0xb8;
	[tilespmem:$0x10080] =	vst v63  }
0x41: {  	_ = 	snop  }
0x42: {  	[tilespmem:s10], [sflag:$0x1] =	stream.indirect_vreg.gather [hbm4b:s6+s2], $0x80, v3, vm0, $0xb8;
	[tilespmem:$0x10080] =	vst v63  }
0x43: {  	v3 =	vld [tilespmem:$0x20];
	_ =	sdelay $0x4  }
0x44: {  	v58 =	vshll.u32 v3, $0x3  }
0x45: {  	v3 =	vand.u32 $0x7, v3;
	v4 =	vand.u32 $0xFFFFFFC0, v58  }
0x46: {  	v3 =	vor.u32 v3, v4  }
0x47: {  	v4 =	vperm.xlane v3, v0;
	_ =	sdelay $0x1  }
0x48: {  	v4 =	vadd.s32 v1, v4;
	_ =	sdelay $0x4  }
0x49: {  	[tilespmem:s11], [sflag:$0x1] =	stream.indirect_vreg.gather [hbm4b:s3+s2], $0x80, v4, vm0, $0xb8;
	[tilespmem:$0x10080] =	vst v63  }
0x4a: {  	v3 =	vperm.xlane v3, v2  }
0x4b: {  	[tilespmem:s12], [sflag:$0x1] =	stream.indirect_vreg.gather [hbm4b:s4+s2], $0x80, v4, vm0, $0xb8;
	[tilespmem:$0x10080] =	vst v63  }
0x4c: {  	v3 =	vadd.s32 v1, v3  }
0x4d: {  	[tilespmem:s13], [sflag:$0x1] =	stream.indirect_vreg.gather [hbm4b:s5+s2], $0x80, v4, vm0, $0xb8;
	[tilespmem:$0x10080] =	vst v63  }
0x4e: {  	_ = 	snop  }
0x4f: {  	[tilespmem:s14], [sflag:$0x1] =	stream.indirect_vreg.gather [hbm4b:s6+s2], $0x80, v4, vm0, $0xb8;
	[tilespmem:$0x10080] =	vst v63  }
0x50: {  	_ = 	snop  }
0x51: {  	[tilespmem:s15], [sflag:$0x1] =	stream.indirect_vreg.gather [hbm4b:s3+s2], $0x80, v3, vm0, $0xb8;
	[tilespmem:$0x10080] =	vst v63  }
0x52: {  	_ = 	snop  }
0x53: {  	[tilespmem:s16], [sflag:$0x1] =	stream.indirect_vreg.gather [hbm4b:s4+s2], $0x80, v3, vm0, $0xb8;
	[tilespmem:$0x10080] =	vst v63  }
0x54: {  	_ = 	snop  }
0x55: {  	[tilespmem:s17], [sflag:$0x1] =	stream.indirect_vreg.gather [hbm4b:s5+s2], $0x80, v3, vm0, $0xb8;
	[tilespmem:$0x10080] =	vst v63  }
0x56: {  	_ = 	snop  }
0x57: {  	[tilespmem:s9], [sflag:$0x1] =	stream.indirect_vreg.gather [hbm4b:s6+s2], $0x80, v3, vm0, $0xb8;
	[tilespmem:$0x10080] =	vst v63  }
0x58: {  	v3 =	vld [tilespmem:$0x30];
	_ =	sdelay $0x4  }
0x59: {  	v59 =	vshll.u32 v3, $0x3  }
0x5a: {  	v3 =	vand.u32 $0x7, v3;
	v4 =	vand.u32 $0xFFFFFFC0, v59  }
0x5b: {  	v3 =	vor.u32 v3, v4  }
0x5c: {  	v4 =	vperm.xlane v3, v0;
	_ =	sdelay $0x1  }
0x5d: {  	v4 =	vadd.s32 v1, v4;
	_ =	sdelay $0x3  }
0x5e: {  	s18 =	simm.s32 $0xC080  }
0x5f: {  	[tilespmem:s18], [sflag:$0x1] =	stream.indirect_vreg.gather [hbm4b:s3+s2], $0x80, v4, vm0, $0xb8;
	[tilespmem:$0x10080] =	vst v63  }
0x60: {  	v3 =	vperm.xlane v3, v2;
	s18 =	simm.s32 $0xC880  }
0x61: {  	[tilespmem:s18], [sflag:$0x1] =	stream.indirect_vreg.gather [hbm4b:s4+s2], $0x80, v4, vm0, $0xb8;
	[tilespmem:$0x10080] =	vst v63  }
0x62: {  	v3 =	vadd.s32 v1, v3;
	s18 =	simm.s32 $0xD080  }
0x63: {  	[tilespmem:s18], [sflag:$0x1] =	stream.indirect_vreg.gather [hbm4b:s5+s2], $0x80, v4, vm0, $0xb8;
	[tilespmem:$0x10080] =	vst v63  }
0x64: {  	s18 =	simm.s32 $0xD880  }
0x65: {  	[tilespmem:s18], [sflag:$0x1] =	stream.indirect_vreg.gather [hbm4b:s6+s2], $0x80, v4, vm0, $0xb8;
	[tilespmem:$0x10080] =	vst v63  }
0x66: {  	s18 =	simm.s32 $0xE080  }
0x67: {  	[tilespmem:s18], [sflag:$0x1] =	stream.indirect_vreg.gather [hbm4b:s3+s2], $0x80, v3, vm0, $0xb8;
	[tilespmem:$0x10080] =	vst v63  }
0x68: {  	s18 =	simm.s32 $0xE880  }
0x69: {  	[tilespmem:s18], [sflag:$0x1] =	stream.indirect_vreg.gather [hbm4b:s4+s2], $0x80, v3, vm0, $0xb8;
	[tilespmem:$0x10080] =	vst v63  }
0x6a: {  	s18 =	simm.s32 $0xF080  }
0x6b: {  	[tilespmem:s18], [sflag:$0x1] =	stream.indirect_vreg.gather [hbm4b:s5+s2], $0x80, v3, vm0, $0xb8;
	[tilespmem:$0x10080] =	vst v63  }
0x6c: {  	s18 =	simm.s32 $0xF880  }
0x6d: {  	[tilespmem:s18], [sflag:$0x1] =	stream.indirect_vreg.gather [hbm4b:s6+s2], $0x80, v3, vm0, $0xb8;
	[tilespmem:$0x10080] =	vst v63  }
0x6e: {  	_ =	swait.ge [sflag:s8], $0x10000  }
0x6f: {  	[sflag:s8] =	ssyncset.done $0x0  }
0x70: {  	s18 =	rddreg [dreg:$0x3];
	[sflag:s8] =	ssyncadd.s32 $0xFFFF0000  }
0x71: {  	[hbm4b:s18+s2] =	stream.linear.scatter [tilespmem:s0], [sflag:$0x1], $0x10000, $0x38;
	[tilespmem:$0x10080] =	vst v63  }
0x72: {  	_ =	swait.ge [sflag:s8], $0x10000  }
0x73: {  	[sflag:s8] =	ssyncset.done $0x0  }
0x74: {  	s18 =	rddreg [dreg:$0x4];
	[sflag:s8] =	ssyncadd.s32 $0xFFFF0000  }
0x75: {  	[tilespmem:s2], [sflag:$0x1] =	stream.linear.gather [hbm4b:s18+s2], $0x40, $0x38;
	[tilespmem:$0x10080] =	vst v63  }
0x76: {  	_ =	swait.ge [sflag:s8], $0x40  }
0x77: {  	[sflag:s8] =	ssyncset.done $0x0  }
0x78: {  	[sflag:s8] =	ssyncadd.s32 $0xFFFFFFC0  }
0x79: {  	v3 =	vld [tilespmem:$0x0];
	_ =	sdelay $0x4  }
0x7a: {  	v60 =	vshll.u32 v3, $0x3  }
0x7b: {  	v3 =	vand.u32 $0x7, v3;
	v4 =	vand.u32 $0xFFFFFFC0, v60  }
0x7c: {  	v3 =	vor.u32 v3, v4  }
0x7d: {  	v4 =	vperm.xlane v3, v0;
	_ =	sdelay $0x1  }
0x7e: {  	v4 =	vadd.s32 v1, v4;
	_ =	sdelay $0x4  }
0x7f: {  	[tilespmem:s0], [sflag:$0x1] =	stream.indirect_vreg.gather [hbm4b:s3+s2], $0x80, v4, vm0, $0xb8;
	[tilespmem:$0x10080] =	vst v63  }
0x80: {  	v3 =	vperm.xlane v3, v2  }
0x81: {  	[tilespmem:s19], [sflag:$0x1] =	stream.indirect_vreg.gather [hbm4b:s4+s2], $0x80, v4, vm0, $0xb8;
	[tilespmem:$0x10080] =	vst v63  }
0x82: {  	v3 =	vadd.s32 v1, v3  }
0x83: {  	[tilespmem:s20], [sflag:$0x1] =	stream.indirect_vreg.gather [hbm4b:s5+s2], $0x80, v4, vm0, $0xb8;
	[tilespmem:$0x10080] =	vst v63  }
0x84: {  	_ = 	snop  }
0x85: {  	[tilespmem:s21], [sflag:$0x1] =	stream.indirect_vreg.gather [hbm4b:s6+s2], $0x80, v4, vm0, $0xb8;
	[tilespmem:$0x10080] =	vst v63  }
0x86: {  	_ = 	snop  }
0x87: {  	[tilespmem:s22], [sflag:$0x1] =	stream.indirect_vreg.gather [hbm4b:s3+s2], $0x80, v3, vm0, $0xb8;
	[tilespmem:$0x10080] =	vst v63  }
0x88: {  	_ = 	snop  }
0x89: {  	[tilespmem:s23], [sflag:$0x1] =	stream.indirect_vreg.gather [hbm4b:s4+s2], $0x80, v3, vm0, $0xb8;
	[tilespmem:$0x10080] =	vst v63  }
0x8a: {  	_ = 	snop  }
0x8b: {  	[tilespmem:s24], [sflag:$0x1] =	stream.indirect_vreg.gather [hbm4b:s5+s2], $0x80, v3, vm0, $0xb8;
	[tilespmem:$0x10080] =	vst v63  }
0x8c: {  	_ = 	snop  }
0x8d: {  	[tilespmem:s25], [sflag:$0x1] =	stream.indirect_vreg.gather [hbm4b:s6+s2], $0x80, v3, vm0, $0xb8;
	[tilespmem:$0x10080] =	vst v63  }
0x8e: {  	v3 =	vld [tilespmem:$0x10];
	_ =	sdelay $0x4  }
0x8f: {  	v61 =	vshll.u32 v3, $0x3  }
0x90: {  	v3 =	vand.u32 $0x7, v3;
	v4 =	vand.u32 $0xFFFFFFC0, v61  }
0x91: {  	v3 =	vor.u32 v3, v4  }
0x92: {  	v4 =	vperm.xlane v3, v0;
	_ =	sdelay $0x1  }
0x93: {  	v4 =	vadd.s32 v1, v4;
	_ =	sdelay $0x4  }
0x94: {  	[tilespmem:s26], [sflag:$0x1] =	stream.indirect_vreg.gather [hbm4b:s3+s2], $0x80, v4, vm0, $0xb8;
	[tilespmem:$0x10080] =	vst v63  }
0x95: {  	v3 =	vperm.xlane v3, v2  }
0x96: {  	[tilespmem:s28], [sflag:$0x1] =	stream.indirect_vreg.gather [hbm4b:s4+s2], $0x80, v4, vm0, $0xb8;
	[tilespmem:$0x10080] =	vst v63  }
0x97: {  	v3 =	vadd.s32 v1, v3  }
0x98: {  	[tilespmem:s29], [sflag:$0x1] =	stream.indirect_vreg.gather [hbm4b:s5+s2], $0x80, v4, vm0, $0xb8;
	[tilespmem:$0x10080] =	vst v63  }
0x99: {  	_ = 	snop  }
0x9a: {  	[tilespmem:s30], [sflag:$0x1] =	stream.indirect_vreg.gather [hbm4b:s6+s2], $0x80, v4, vm0, $0xb8;
	[tilespmem:$0x10080] =	vst v63  }
0x9b: {  	_ = 	snop  }
0x9c: {  	[tilespmem:s31], [sflag:$0x1] =	stream.indirect_vreg.gather [hbm4b:s3+s2], $0x80, v3, vm0, $0xb8;
	[tilespmem:$0x10080] =	vst v63  }
0x9d: {  	s18 =	simm.s32 $0x6880  }
0x9e: {  	[tilespmem:s18], [sflag:$0x1] =	stream.indirect_vreg.gather [hbm4b:s4+s2], $0x80, v3, vm0, $0xb8;
	[tilespmem:$0x10080] =	vst v63  }
0x9f: {  	_ = 	snop  }
0xa0: {  	[tilespmem:s1], [sflag:$0x1] =	stream.indirect_vreg.gather [hbm4b:s5+s2], $0x80, v3, vm0, $0xb8;
	[tilespmem:$0x10080] =	vst v63  }
0xa1: {  	_ = 	snop  }
0xa2: {  	[tilespmem:s10], [sflag:$0x1] =	stream.indirect_vreg.gather [hbm4b:s6+s2], $0x80, v3, vm0, $0xb8;
	[tilespmem:$0x10080] =	vst v63  }
0xa3: {  	v3 =	vld [tilespmem:$0x20];
	_ =	sdelay $0x4  }
0xa4: {  	v62 =	vshll.u32 v3, $0x3  }
0xa5: {  	v3 =	vand.u32 $0x7, v3;
	v4 =	vand.u32 $0xFFFFFFC0, v62  }
0xa6: {  	v3 =	vor.u32 v3, v4  }
0xa7: {  	v4 =	vperm.xlane v3, v0;
	_ =	sdelay $0x1  }
0xa8: {  	v4 =	vadd.s32 v1, v4;
	_ =	sdelay $0x4  }
0xa9: {  	[tilespmem:s11], [sflag:$0x1] =	stream.indirect_vreg.gather [hbm4b:s3+s2], $0x80, v4, vm0, $0xb8;
	[tilespmem:$0x10080] =	vst v63  }
0xaa: {  	v3 =	vperm.xlane v3, v2  }
0xab: {  	[tilespmem:s12], [sflag:$0x1] =	stream.indirect_vreg.gather [hbm4b:s4+s2], $0x80, v4, vm0, $0xb8;
	[tilespmem:$0x10080] =	vst v63  }
0xac: {  	v3 =	vadd.s32 v1, v3  }
0xad: {  	[tilespmem:s13], [sflag:$0x1] =	stream.indirect_vreg.gather [hbm4b:s5+s2], $0x80, v4, vm0, $0xb8;
	[tilespmem:$0x10080] =	vst v63  }
0xae: {  	_ = 	snop  }
0xaf: {  	[tilespmem:s14], [sflag:$0x1] =	stream.indirect_vreg.gather [hbm4b:s6+s2], $0x80, v4, vm0, $0xb8;
	[tilespmem:$0x10080] =	vst v63  }
0xb0: {  	_ = 	snop  }
0xb1: {  	[tilespmem:s15], [sflag:$0x1] =	stream.indirect_vreg.gather [hbm4b:s3+s2], $0x80, v3, vm0, $0xb8;
	[tilespmem:$0x10080] =	vst v63  }
0xb2: {  	_ = 	snop  }
0xb3: {  	[tilespmem:s16], [sflag:$0x1] =	stream.indirect_vreg.gather [hbm4b:s4+s2], $0x80, v3, vm0, $0xb8;
	[tilespmem:$0x10080] =	vst v63  }
0xb4: {  	_ = 	snop  }
0xb5: {  	[tilespmem:s17], [sflag:$0x1] =	stream.indirect_vreg.gather [hbm4b:s5+s2], $0x80, v3, vm0, $0xb8;
	[tilespmem:$0x10080] =	vst v63  }
0xb6: {  	_ = 	snop  }
0xb7: {  	[tilespmem:s9], [sflag:$0x1] =	stream.indirect_vreg.gather [hbm4b:s6+s2], $0x80, v3, vm0, $0xb8;
	[tilespmem:$0x10080] =	vst v63  }
0xb8: {  	v3 =	vld [tilespmem:$0x30];
	_ =	sdelay $0x4  }
0xb9: {  	v63 =	vshll.u32 v3, $0x3  }
0xba: {  	v3 =	vand.u32 $0x7, v3;
	v4 =	vand.u32 $0xFFFFFFC0, v63  }
0xbb: {  	v3 =	vor.u32 v3, v4  }
0xbc: {  	v4 =	vperm.xlane v3, v0;
	_ =	sdelay $0x1  }
0xbd: {  	v4 =	vadd.s32 v1, v4;
	_ =	sdelay $0x3  }
0xbe: {  	s18 =	simm.s32 $0xC080  }
0xbf: {  	[tilespmem:s18], [sflag:$0x1] =	stream.indirect_vreg.gather [hbm4b:s3+s2], $0x80, v4, vm0, $0xb8;
	[tilespmem:$0x10080] =	vst v63  }
0xc0: {  	v3 =	vperm.xlane v3, v2;
	s18 =	simm.s32 $0xC880  }
0xc1: {  	[tilespmem:s18], [sflag:$0x1] =	stream.indirect_vreg.gather [hbm4b:s4+s2], $0x80, v4, vm0, $0xb8;
	[tilespmem:$0x10080] =	vst v63  }
0xc2: {  	v3 =	vadd.s32 v1, v3;
	s18 =	simm.s32 $0xD080  }
0xc3: {  	[tilespmem:s18], [sflag:$0x1] =	stream.indirect_vreg.gather [hbm4b:s5+s2], $0x80, v4, vm0, $0xb8;
	[tilespmem:$0x10080] =	vst v63  }
0xc4: {  	s18 =	simm.s32 $0xD880  }
0xc5: {  	[tilespmem:s18], [sflag:$0x1] =	stream.indirect_vreg.gather [hbm4b:s6+s2], $0x80, v4, vm0, $0xb8;
	[tilespmem:$0x10080] =	vst v63  }
0xc6: {  	s18 =	simm.s32 $0xE080  }
0xc7: {  	[tilespmem:s18], [sflag:$0x1] =	stream.indirect_vreg.gather [hbm4b:s3+s2], $0x80, v3, vm0, $0xb8;
	[tilespmem:$0x10080] =	vst v63  }
0xc8: {  	s18 =	simm.s32 $0xE880  }
0xc9: {  	[tilespmem:s18], [sflag:$0x1] =	stream.indirect_vreg.gather [hbm4b:s4+s2], $0x80, v3, vm0, $0xb8;
	[tilespmem:$0x10080] =	vst v63  }
0xca: {  	s18 =	simm.s32 $0xF080  }
0xcb: {  	[tilespmem:s18], [sflag:$0x1] =	stream.indirect_vreg.gather [hbm4b:s5+s2], $0x80, v3, vm0, $0xb8;
	[tilespmem:$0x10080] =	vst v63  }
0xcc: {  	s18 =	simm.s32 $0xF880  }
0xcd: {  	[tilespmem:s18], [sflag:$0x1] =	stream.indirect_vreg.gather [hbm4b:s6+s2], $0x80, v3, vm0, $0xb8;
	[tilespmem:$0x10080] =	vst v63  }
0xce: {  	_ =	swait.ge [sflag:s8], $0x10000  }
0xcf: {  	p0 =	sne.s32 s7, $0x1;
	[sflag:s8] =	ssyncset.done $0x0  }
.Ltmp0:
0xd0: {  	s1 =	rddreg [dreg:$0x5];
	[sflag:s8] =	ssyncadd.s32 $0xFFFF0000;
	(pc) =	sbr.rel @p0 .LBB2_1-.Ltmp0, $4  }
0xd1: {  	[hbm4b:s1+s2] =	stream.linear.scatter [tilespmem:s0], [sflag:$0x1], $0x10000, $0x38;
	[tilespmem:$0x10080] =	vst v63  }
0xd2: {  	_ =	swait.ge [sflag:s8], $0x10000  }
0xd3: {  	[sflag:s8] =	ssyncset.done $0x0  }
0xd4: {  	s7 =	sadd.s32 $0xFFFFFFFF, s7;
	[sflag:s8] =	ssyncadd.s32 $0xFFFF0000  }
0xd5: {  	_ =	sfence.sel $0x180000  }
0xd6: {  	[bflag:$0x0] =	sbarrier.arrive $0xFFFF  }
0xd7: {  	_ =	strace $0x9000004A  }
0xd8: {  	s0 =	stileid.u32;
	[bflag:$0x2] =	sbarrier.arrive $0xFFFF  }
0xd9: {  	p0 =	sne.s32 s0, $0x0;
	s0 =	rddreg [dreg:$0x1]  }
0xda: {  	s0 =	sadd.s32 @!p0 $0x100000, s0  }
0xdb: {  	[sflag:s0] =	ssyncadd.tile.s32 @!p0 $0x1;
	_ =	shalt  }
.Lfunc_end2:
_tile_overlayer_lowered:
.L_overlay_start_2:
0xdc: {  	(tag) =	ssettag $0x2  }
0xdd: {  	s0 =	rddreg [dreg:$0x0];
	s2 =	stileid.u32  }
0xde: {  	s1 =	rddreg [dreg:$0x1];
	p0 =	sne.s32 s2, $0x0  }
0xdf: {  	s3 =	rddreg [dreg:$0x2];
	[bflag:$0x3] =	sbarrier.arrive $0xFFFF;
	s2 =	simm.s32 @!p0 $0x1C01  }
0xe0: {  	[timem:s3], [sflag:s2] =	dma.local @!p0 [hbm:s0], s1  }
0xe1: {  	s0 =	simm.s32 @!p0 $0x1  }
0xe2: {  	_ =	swait.ge @!p0 [sflag:s0], s1  }
0xe3: {  	s1 =	ssub.s32 @!p0 $0x0, s1;
	[sflag:s0] =	ssyncset.done @!p0 $0x0  }
0xe4: {  	[sflag:s0] =	ssyncadd.s32 @!p0 s1  }
0xe5: {  	[bflag:$0x3] =	sbarrier.arrive $0xFFFF  }
0xe6: {  	_ =	shalt  }

// kernel: kernel.7.cloned.1.call-start
scs
__scs_entry_jumppad:
0x0: {  	(pc) =	sbr.rel $0x88, $3  }
0x1: {  	(tag) =	ssettag $0x0;
	lr =	simm.s32 $0x1  }
0x2: {  	[smem:$0x3F9C] =	sst lr;
	_ =	strace $0xD0000000  }
0x3: {  	_ = 	snop  }
0x4: {  	_ = 	snop  }
0x5: {  	_ = 	snop  }
0x6: {  	_ = 	snop  }
0x7: {  	_ = 	snop  }
__scs_overlays_trampoline_lowered:
0x8: {  	[smem:$0x3FAB] =	sst s0  }
0x9: {  	[smem:$0x3FAC] =	sst s1  }
0xa: {  	[smem:$0x3FAD] =	sst s2  }
0xb: {  	[smem:$0x3FAE] =	sst s3  }
0xc: {  	[smem:$0x3FAF] =	sst s4  }
0xd: {  	[smem:$0x3FB0] =	sst s5  }
0xe: {  	[smem:$0x3FB1] =	sst s6  }
0xf: {  	[smem:$0x3FB2] =	sst s7  }
0x10: {  	[smem:$0x3FB3] =	sst s8  }
0x11: {  	[smem:$0x3FB4] =	sst s9;
	s0 =	simm.s32 @!p0 $0x0  }
0x12: {  	s1 =	sld [smem:$0x3F9A];
	s0 =	simm.s32 @p0 $0x1  }
0x13: {  	[smem:$0x3FB5] =	sst s0;
	s0 =	simm.s32 @!p1 $0x0  }
0x14: {  	s2 =	sld [smem:$0x3F99];
	s0 =	simm.s32 @p1 $0x1  }
0x15: {  	[smem:$0x3FB6] =	sst s0;
	s0 =	simm.s32 @!p2 $0x0  }
0x16: {  	s3 =	sld [smem:$0x3FDB];
	s0 =	simm.s32 @p2 $0x1  }
0x17: {  	s4 =	simm.s32 $0x1BF5;
	[smem:$0x3FB8] =	sst s0  }
0x18: {  	s0 =	sld [smem:$0x3F9B];
	_ =	swait.ge [sflag:s4], $0x0  }
0x19: {  	s7 =	sld [smem:$0x3F9C]  }
0x1a: {  	s8 =	sadd.s32 $0xFFFFE003, lr  }
0x1b: {  	s9 =	sadd.s32 $0xFFFFFEF7, lr;
	s5 =	simm.s32 $0xFFFFFFFF;
	p2 =	slt.u32 s8, $0xFFFFF086  }
0x1c: {  	p1 =	slt.u32 s9, $0xF7A;
	s5 =	simm.s32 @!p2 $0x0  }
0x1d: {  	s5 =	simm.s32 @p1 $0x1;
	p0 =	seq.s32 s7, s2  }
0x1e: {  	s7 =	smul.u32 @!p0 $0xF7A, s2;
	p2 =	seq.s32 @!p0 s5, $0x0  }
0x1f: {  	s9 =	smul.u32 $0xF7A, s1;
	s8 =	simm.s32 @!p0 $0x1BF5;
	p2 =	por !p2, p0  }
0x20: {  	[sflag:s8] =	ssyncset.s32 @!p0 $0xFFFFF086;
	s6 =	sadd.s32 @!p0 s3, s7;
	s7 =	simm.s32 @!p0 $0x108  }
0x21: {  	s3 =	sadd.s32 s3, s9;
	s6 =	sadd.s32 @!p0 $0x88, s6;
	s7 =	simm.s32 @p2 $0x1082  }
0x22: {  	[simem:s7], [sflag:s8] =	dma.local @!p0 [hbm:s6], $0xF7A  }
0x23: {  	s9 =	sor.u32 $0xD0000000, s2;
	s6 =	simm.s32 $0x108;
	_ =	swait.ge @!p0 [sflag:s8], $0x0  }
0x24: {  	s3 =	sadd.s32 $0x88, s3;
	s6 =	simm.s32 @!p1 $0x1082;
	[sflag:s4] =	ssyncset.s32 $0xFFFFF086  }
0x25: {  	[simem:s6], [sflag:s4] =	dma.local [hbm:s3], $0xF7A  }
0x26: {  	[smem:$0x3F9C] =	sst s1;
	(tag) =	ssettag s2;
	_ =	strace s9  }
0x27: {  	s1 =	sld [smem:$0x3FAC]  }
0x28: {  	s2 =	sld [smem:$0x3FAD]  }
0x29: {  	s4 =	sld [smem:$0x3FAF]  }
0x2a: {  	p0 =	seq.s32 s5, $0x0;
	s5 =	sld [smem:$0x3FB0]  }
0x2b: {  	s6 =	sld [smem:$0x3FB1]  }
0x2c: {  	s7 =	sld [smem:$0x3FB2]  }
0x2d: {  	s3 =	simm.s32 $0x108;
	s8 =	sld [smem:$0x3FB3]  }
0x2e: {  	s3 =	simm.s32 @!p0 $0x1082;
	s9 =	sld [smem:$0x3FB4]  }
0x2f: {  	lr =	sadd.s32 s0, s3;
	s0 =	sld [smem:$0x3FAB]  }
0x30: {  	s3 =	sld [smem:$0x3FAE]  }
0x31: {  	[smem:$0x3FB7] =	sst s10  }
0x32: {  	s10 =	sld [smem:$0x3FB5];
	_ =	sdelay $0x3  }
0x33: {  	p0 =	seq.s32 s10, $0x1;
	s10 =	sld [smem:$0x3FB7];
	_ =	sdelay $0x3  }
0x34: {  	[smem:$0x3FB7] =	sst s10  }
0x35: {  	s10 =	sld [smem:$0x3FB6];
	_ =	sdelay $0x3  }
0x36: {  	p1 =	seq.s32 s10, $0x1;
	s10 =	sld [smem:$0x3FB7];
	_ =	sdelay $0x3  }
0x37: {  	[smem:$0x3FB7] =	sst s10  }
0x38: {  	s10 =	sld [smem:$0x3FB8]  }
0x39: {  	_ = 	snop;
	(pc) =	sbr.ind lr, $3  }
0x3a: {  	_ = 	snop  }
0x3b: {  	_ = 	snop  }
0x3c: {  	p2 =	seq.s32 s10, $0x1;
	s10 =	sld [smem:$0x3FB7]  }
0x3d: {  	_ =	shalt  }
0x3e: {  	_ =	shalt  }
0x3f: {  	_ =	shalt  }
0x40: {  	_ =	shalt  }
0x41: {  	_ =	shalt  }
0x42: {  	_ =	shalt  }
0x43: {  	_ =	shalt  }
0x44: {  	_ =	shalt  }
0x45: {  	_ =	shalt  }
0x46: {  	_ =	shalt  }
0x47: {  	_ =	shalt  }
0x48: {  	_ =	shalt  }
0x49: {  	_ =	shalt  }
0x4a: {  	_ =	shalt  }
0x4b: {  	_ =	shalt  }
0x4c: {  	_ =	shalt  }
0x4d: {  	_ =	shalt  }
0x4e: {  	_ =	shalt  }
0x4f: {  	_ =	shalt  }
0x50: {  	_ =	shalt  }
0x51: {  	_ =	shalt  }
0x52: {  	_ =	shalt  }
0x53: {  	_ =	shalt  }
0x54: {  	_ =	shalt  }
0x55: {  	_ =	shalt  }
0x56: {  	_ =	shalt  }
0x57: {  	_ =	shalt  }
0x58: {  	_ =	shalt  }
0x59: {  	_ =	shalt  }
0x5a: {  	_ =	shalt  }
0x5b: {  	_ =	shalt  }
0x5c: {  	_ =	shalt  }
0x5d: {  	_ =	shalt  }
0x5e: {  	_ =	shalt  }
0x5f: {  	_ =	shalt  }
0x60: {  	_ =	shalt  }
0x61: {  	_ =	shalt  }
0x62: {  	_ =	shalt  }
0x63: {  	_ =	shalt  }
0x64: {  	_ =	shalt  }
0x65: {  	_ =	shalt  }
0x66: {  	_ =	shalt  }
0x67: {  	_ =	shalt  }
0x68: {  	_ =	shalt  }
0x69: {  	_ =	shalt  }
0x6a: {  	_ =	shalt  }
0x6b: {  	_ =	shalt  }
0x6c: {  	_ =	shalt  }
0x6d: {  	_ =	shalt  }
0x6e: {  	_ =	shalt  }
0x6f: {  	_ =	shalt  }
0x70: {  	_ =	shalt  }
0x71: {  	_ =	shalt  }
0x72: {  	_ =	shalt  }
0x73: {  	_ =	shalt  }
0x74: {  	_ =	shalt  }
0x75: {  	_ =	shalt  }
0x76: {  	_ =	shalt  }
0x77: {  	_ =	shalt  }
0x78: {  	_ =	shalt  }
0x79: {  	_ =	shalt  }
0x7a: {  	_ =	shalt  }
0x7b: {  	_ =	shalt  }
0x7c: {  	_ =	shalt  }
0x7d: {  	_ =	shalt  }
0x7e: {  	_ =	shalt  }
0x7f: {  	_ =	shalt  }
0x80: {  	_ =	shalt  }
0x81: {  	_ =	shalt  }
0x82: {  	_ =	shalt  }
0x83: {  	_ =	shalt  }
0x84: {  	_ =	shalt  }
0x85: {  	_ =	shalt  }
0x86: {  	_ =	shalt  }
0x87: {  	_ =	shalt  }
.Lfunc_end0:
.L_simem_size_0:
called_computation_lowered:
.L_overlay_start_0:
0x88: {  	s2 =	sld [smem:$0x3FD9]  }
0x89: {  	s3 =	sld [smem:$0x3FFE];
	_ =	sdelay $0x1  }
0x8a: {  	s1 =	srdreg.scid  }
0x8b: {  	s0 =	sand.u32 $0x1, s1  }
0x8c: {  	s17 =	sshll.u32 s0, $0xA;
	s2 =	sadd.s32 s3, s2  }
0x8d: {  	s2 =	sadd.s32 s2, s17  }
0x8e: {  	[smem:$0x3FC3] =	sst s2  }
0x8f: {  	_ = 	snop  }
0x90: {  	s2 =	sld [smem:$0x3FC9];
	(tm) =	ssettm $0x1  }
0x91: {  	s18 =	sld [smem:$0x3FFB];
	_ =	sdelay $0x3  }
0x92: {  	_ =	strace s18  }
0x93: {  	s3 =	sld [smem:$0x3FFC];
	_ =	sdelay $0x3  }
0x94: {  	_ =	strace s3  }
0x95: {  	s3 =	sld [smem:$0x3FFD];
	_ =	sdelay $0x3  }
0x96: {  	_ =	strace s3  }
0x97: {  	_ =	strace $0x8FFFFFFF  }
0x98: {  	s19 =	sld [smem:$0x3FDB];
	_ =	sdelay $0x1  }
0x99: {  	s4 =	simm.s32 $_scs_section_size  }
0x9a: {  	s5 =	simm.s32 $_size__tile_overlayer_lowered;
	s6 =	simm.s32 $_tile_overlayer_lowered  }
0x9b: {  	s22 =	simm.s32 $0x1BFF;
	s21 =	sshll.u32 s6, $0x1;
	s3 =	sadd.s32 s4, s19  }
0x9c: {  	s7 =	simm.s32 $0x0;
	s20 =	sshll.u32 s5, $0x1;
	s5 =	sadd.s32 s21, s3  }
0x9d: {  	[timem:s7], [sflag:s22] =	dma.local [hbm:s5], s20  }
0x9e: {  	_ =	swait.ge [sflag:s22], s20  }
0x9f: {  	s4 =	ssub.s32 $0x0, s20;
	[sflag:s22] =	ssyncset.done $0x0  }
0xa0: {  	[sflag:s22] =	ssyncadd.s32 s4;
	_ =	sdelay $0x1  }
0xa1: {  	s23 =	simm.s32 $0x1B8B  }
0xa2: {  	_ =	swait.ge [sflag:s23], $0x1  }
0xa3: {  	[sflag:s23] =	ssyncset.done $0x0  }
0xa4: {  	s25 =	simm.s32 $0x1B8E;
	s24 =	sld [smem:$0x3FFE];
	[sflag:s23] =	ssyncadd.s32 $0xFFFFFFFF  }
0xa5: {  	s26 =	simm.s32 $execute0_lowered;
	[smem:$0x3FD2] =	sst s25  }
0xa6: {  	s5 =	sshll.u32 s26, $0x1;
	_ =	strace $0x80000046;
	[dreg:$0x1] =	wrdreg $0xFFFFFFFF  }
0xa7: {  	s28 =	simm.s32 $_size_execute0_lowered;
	s3 =	sadd.s32 s3, s5;
	[dreg:$0x0] =	wrdreg $0x0  }
0xa8: {  	s5 =	sshll.u32 s28, $0x1;
	[dreg:$0x2] =	wrdreg s3  }
0xa9: {  	[dreg:$0x3] =	wrdreg s5  }
0xaa: {  	[dreg:$0x4] =	wrdreg $0xC0  }
0xab: {  	_ =	task [dreg:s7], $0x5FFFF  }
0xac: {  	[dreg:$0x1] =	wrdreg $0xFFFFFFFF  }
0xad: {  	[dreg:$0x0] =	wrdreg $0x60  }
0xae: {  	[dreg:$0x2] =	wrdreg s2  }
0xaf: {  	[dreg:$0x3] =	wrdreg s24  }
0xb0: {  	[dreg:$0x4] =	wrdreg $0x9  }
0xb1: {  	_ =	task.clear_ibuf [dreg:s7], $0x5FFFF;
	_ =	strace $0x90000046  }
0xb2: {  	s29 =	simm.s32 $0x9;
	_ =	strace $0x80000048  }
0xb3: {  	_ =	swait.ge [sflag:s29], $0x1  }
0xb4: {  	[sflag:s29] =	ssyncadd.s32 $0xFFFFFFFF  }
0xb5: {  	_ =	strace $0x90000048  }
0xb6: {  	_ =	sfence  }
0xb7: {  	s30 =	sld [smem:$0x0];
	_ =	sdelay $0x2  }
0xb8: {  	s31 =	sshll.u32 s1, $0xD;
	s1 =	sshrl.u32 s1, $0x2  }
0xb9: {  	s3 =	sand.u32 $0x4000, s31;
	s1 =	sadd.s32 s1, s30  }
0xba: {  	s0 =	sor.u32 s3, s0;
	s1 =	sshll.u32 s1, $0x11  }
0xbb: {  	s0 =	sor.u32 s1, s0  }
0xbc: {  	s0 =	sadd.s32 $0x8F2B, s0  }
0xbd: {  	[sflag:s0] =	ssyncadd.remote.s32 $0x1  }
0xbe: {  	_ =	sfence.sel $0xFFFF  }
0xbf: {  	[dreg:$0x0] =	wrdreg $0xFFFFFFFF;
	(pc) =	sbr.abs _section_cstart, $3  }
0xc0: {  	[dreg:$0x1] =	wrdreg $0xFFFFFFFF  }
0xc1: {  	_ =	task.clear_ibuf [dreg:s7], $0x2FFFF;
	_ =	strace $0x9FFFFFFF  }
0xc2: {  	(tm) =	ssettm $0x7FFFFFFF  }
0xc3: {  	_ =	shalt  }
tec
execute0_lowered:
.L_overlay_start_1:
0x0: {  	(tag) =	ssettag $0x1  }
0x1: {  	s0 =	rddreg [dreg:$0x0]  }
0x2: {  	s1 =	rddreg [dreg:$0x1]  }
0x3: {  	s2 =	srdreg.scid;
	s3 =	stileid.u32  }
0x4: {  	s10 =	simm.s32 $0x1;
	s21 =	simm.s32 $0x880;
	s22 =	simm.s32 $0x1080  }
0x5: {  	s23 =	simm.s32 $0x1880;
	s24 =	simm.s32 $0x2080;
	s25 =	simm.s32 $0x2880  }
0x6: {  	s28 =	simm.s32 $0x3880;
	s29 =	simm.s32 $0x4080;
	s30 =	simm.s32 $0x4880  }
0x7: {  	s31 =	simm.s32 $0x5080;
	s11 =	simm.s32 $0x6880;
	s12 =	simm.s32 $0x7080  }
0x8: {  	s13 =	simm.s32 $0x7880;
	s14 =	simm.s32 $0x8080;
	s15 =	simm.s32 $0x8880  }
0x9: {  	s16 =	simm.s32 $0x9080;
	s17 =	simm.s32 $0x9880;
	s18 =	simm.s32 $0xA080  }
0xa: {  	s19 =	simm.s32 $0xA880;
	s4 =	sand.u32 $0x1, s2;
	s2 =	simm.s32 $0x0  }
0xb: {  	s3 =	sshll.u32 s3, $0x7;
	s5 =	sshll.u32 s4, $0x6;
	[smem:$0x7FF] =	sst s2  }
0xc: {  	s4 =	ssub.s32 $0x2, s4;
	s5 =	sor.u32 s5, s3;
	_ =	strace $0x80000047  }
0xd: {  	s6 =	sshrl.u32 s4, $0x1;
	s3 =	sshrl.u32 s5, $0x3;
	s5 =	sshll.u32 s5, $0x7  }
0xe: {  	s9 =	ssub.s32 s4, s6;
	s6 =	sadd.s32 $0x1200, s1;
	s4 =	simm.s32 $0xB080  }
0xf: {  	s7 =	sadd.s32 s3, s1;
	s3 =	sadd.s32 $0x1000, s1;
	s0 =	sadd.s32 s0, s5  }
0x10: {  	v2 =	vlaneseq.u32;
	s5 =	sadd.s32 $0x1100, s1;
	s8 =	sadd.s32 $0xE00, s7;
	[dreg:$0x5] =	wrdreg s0  }
0x11: {  	vm0 =	vmmov $0xffff;
	v1 =	vshrl.u32 v2, $0x3;
	s26 =	sadd.s32 $0xC00, s7;
	s7 =	sadd.s32 $0x1300, s1;
	[dreg:$0x3] =	wrdreg s8  }
0x12: {  	v0 =	vand.u32 $0x7, v2;
	v2 =	vor.u32 $0x8, v2;
	v1 =	vmul.u32 $0x8, v1;
	[dreg:$0x4] =	wrdreg s26;
	s8 =	smax.u32 s9, $0x1;
	s26 =	simm.s32 $0x3080  }
.LBB2_1:
0x13: {  	s9 =	rddreg [dreg:$0x5];
	s0 =	simm.s32 $0x80  }
0x14: {  	[tilespmem:s0], [sflag:$0x1] =	stream.linear.gather [hbm4b:s9+s2], $0x10000, $0x38;
	[tilespmem:$0x10080] =	vst v63  }
0x15: {  	_ =	swait.ge [sflag:s10], $0x10000  }
0x16: {  	[sflag:s10] =	ssyncset.done $0x0  }
0x17: {  	s20 =	rddreg [dreg:$0x3];
	[sflag:s10] =	ssyncadd.s32 $0xFFFF0000  }
0x18: {  	[tilespmem:s2], [sflag:$0x1] =	stream.linear.gather [hbm4b:s20+s2], $0x40, $0x38;
	[tilespmem:$0x10080] =	vst v63  }
0x19: {  	_ =	swait.ge [sflag:s10], $0x40  }
0x1a: {  	[sflag:s10] =	ssyncset.done $0x0  }
0x1b: {  	[sflag:s10] =	ssyncadd.s32 $0xFFFFFFC0  }
0x1c: {  	v3 =	vld [tilespmem:$0x0];
	_ =	sdelay $0x4  }
0x1d: {  	v4 =	vshll.u32 v3, $0x3  }
0x1e: {  	v3 =	vand.u32 $0x7, v3;
	v4 =	vand.u32 $0xFFFFFFC0, v4  }
0x1f: {  	v3 =	vor.u32 v3, v4  }
0x20: {  	v4 =	vperm.xlane v3, v0;
	_ =	sdelay $0x1  }
0x21: {  	v4 =	vadd.s32 v1, v4;
	_ =	sdelay $0x4  }
0x22: {  	[hbm4b:s3+s2] =	stream.indirect_vreg.scatter [tilespmem:s0], [sflag:$0x1], $0x80, v4, vm0, $0xb8;
	[tilespmem:$0x10080] =	vst v63  }
0x23: {  	v3 =	vperm.xlane v3, v2  }
0x24: {  	[hbm4b:s5+s2] =	stream.indirect_vreg.scatter [tilespmem:s21], [sflag:$0x1], $0x80, v4, vm0, $0xb8;
	[tilespmem:$0x10080] =	vst v63  }
0x25: {  	v3 =	vadd.s32 v1, v3  }
0x26: {  	[hbm4b:s6+s2] =	stream.indirect_vreg.scatter [tilespmem:s22], [sflag:$0x1], $0x80, v4, vm0, $0xb8;
	[tilespmem:$0x10080] =	vst v63  }
0x27: {  	_ = 	snop  }
0x28: {  	[hbm4b:s7+s2] =	stream.indirect_vreg.scatter [tilespmem:s23], [sflag:$0x1], $0x80, v4, vm0, $0xb8;
	[tilespmem:$0x10080] =	vst v63  }
0x29: {  	_ = 	snop  }
0x2a: {  	[hbm4b:s3+s2] =	stream.indirect_vreg.scatter [tilespmem:s24], [sflag:$0x1], $0x80, v3, vm0, $0xb8;
	[tilespmem:$0x10080] =	vst v63  }
0x2b: {  	_ = 	snop  }
0x2c: {  	[hbm4b:s5+s2] =	stream.indirect_vreg.scatter [tilespmem:s25], [sflag:$0x1], $0x80, v3, vm0, $0xb8;
	[tilespmem:$0x10080] =	vst v63  }
0x2d: {  	_ = 	snop  }
0x2e: {  	[hbm4b:s6+s2] =	stream.indirect_vreg.scatter [tilespmem:s26], [sflag:$0x1], $0x80, v3, vm0, $0xb8;
	[tilespmem:$0x10080] =	vst v63  }
0x2f: {  	_ = 	snop  }
0x30: {  	[hbm4b:s7+s2] =	stream.indirect_vreg.scatter [tilespmem:s28], [sflag:$0x1], $0x80, v3, vm0, $0xb8;
	[tilespmem:$0x10080] =	vst v63  }
0x31: {  	v3 =	vld [tilespmem:$0x10];
	_ =	sdelay $0x4  }
0x32: {  	v57 =	vshll.u32 v3, $0x3  }
0x33: {  	v3 =	vand.u32 $0x7, v3;
	v4 =	vand.u32 $0xFFFFFFC0, v57  }
0x34: {  	v3 =	vor.u32 v3, v4  }
0x35: {  	v4 =	vperm.xlane v3, v0;
	_ =	sdelay $0x1  }
0x36: {  	v4 =	vadd.s32 v1, v4;
	_ =	sdelay $0x4  }
0x37: {  	[hbm4b:s3+s2] =	stream.indirect_vreg.scatter [tilespmem:s29], [sflag:$0x1], $0x80, v4, vm0, $0xb8;
	[tilespmem:$0x10080] =	vst v63  }
0x38: {  	v3 =	vperm.xlane v3, v2  }
0x39: {  	[hbm4b:s5+s2] =	stream.indirect_vreg.scatter [tilespmem:s30], [sflag:$0x1], $0x80, v4, vm0, $0xb8;
	[tilespmem:$0x10080] =	vst v63  }
0x3a: {  	v3 =	vadd.s32 v1, v3  }
0x3b: {  	[hbm4b:s6+s2] =	stream.indirect_vreg.scatter [tilespmem:s31], [sflag:$0x1], $0x80, v4, vm0, $0xb8;
	[tilespmem:$0x10080] =	vst v63  }
0x3c: {  	s1 =	simm.s32 $0x5880  }
0x3d: {  	[hbm4b:s7+s2] =	stream.indirect_vreg.scatter [tilespmem:s1], [sflag:$0x1], $0x80, v4, vm0, $0xb8;
	[tilespmem:$0x10080] =	vst v63  }
0x3e: {  	s1 =	simm.s32 $0x6080  }
0x3f: {  	[hbm4b:s3+s2] =	stream.indirect_vreg.scatter [tilespmem:s1], [sflag:$0x1], $0x80, v3, vm0, $0xb8;
	[tilespmem:$0x10080] =	vst v63  }
0x40: {  	_ = 	snop  }
0x41: {  	[hbm4b:s5+s2] =	stream.indirect_vreg.scatter [tilespmem:s11], [sflag:$0x1], $0x80, v3, vm0, $0xb8;
	[tilespmem:$0x10080] =	vst v63  }
0x42: {  	_ = 	snop  }
0x43: {  	[hbm4b:s6+s2] =	stream.indirect_vreg.scatter [tilespmem:s12], [sflag:$0x1], $0x80, v3, vm0, $0xb8;
	[tilespmem:$0x10080] =	vst v63  }
0x44: {  	_ = 	snop  }
0x45: {  	[hbm4b:s7+s2] =	stream.indirect_vreg.scatter [tilespmem:s13], [sflag:$0x1], $0x80, v3, vm0, $0xb8;
	[tilespmem:$0x10080] =	vst v63  }
0x46: {  	v3 =	vld [tilespmem:$0x20];
	_ =	sdelay $0x4  }
0x47: {  	v58 =	vshll.u32 v3, $0x3  }
0x48: {  	v3 =	vand.u32 $0x7, v3;
	v4 =	vand.u32 $0xFFFFFFC0, v58  }
0x49: {  	v3 =	vor.u32 v3, v4  }
0x4a: {  	v4 =	vperm.xlane v3, v0;
	_ =	sdelay $0x1  }
0x4b: {  	v4 =	vadd.s32 v1, v4;
	_ =	sdelay $0x4  }
0x4c: {  	[hbm4b:s3+s2] =	stream.indirect_vreg.scatter [tilespmem:s14], [sflag:$0x1], $0x80, v4, vm0, $0xb8;
	[tilespmem:$0x10080] =	vst v63  }
0x4d: {  	v3 =	vperm.xlane v3, v2  }
0x4e: {  	[hbm4b:s5+s2] =	stream.indirect_vreg.scatter [tilespmem:s15], [sflag:$0x1], $0x80, v4, vm0, $0xb8;
	[tilespmem:$0x10080] =	vst v63  }
0x4f: {  	v3 =	vadd.s32 v1, v3  }
0x50: {  	[hbm4b:s6+s2] =	stream.indirect_vreg.scatter [tilespmem:s16], [sflag:$0x1], $0x80, v4, vm0, $0xb8;
	[tilespmem:$0x10080] =	vst v63  }
0x51: {  	_ = 	snop  }
0x52: {  	[hbm4b:s7+s2] =	stream.indirect_vreg.scatter [tilespmem:s17], [sflag:$0x1], $0x80, v4, vm0, $0xb8;
	[tilespmem:$0x10080] =	vst v63  }
0x53: {  	_ = 	snop  }
0x54: {  	[hbm4b:s3+s2] =	stream.indirect_vreg.scatter [tilespmem:s18], [sflag:$0x1], $0x80, v3, vm0, $0xb8;
	[tilespmem:$0x10080] =	vst v63  }
0x55: {  	_ = 	snop  }
0x56: {  	[hbm4b:s5+s2] =	stream.indirect_vreg.scatter [tilespmem:s19], [sflag:$0x1], $0x80, v3, vm0, $0xb8;
	[tilespmem:$0x10080] =	vst v63  }
0x57: {  	_ = 	snop  }
0x58: {  	[hbm4b:s6+s2] =	stream.indirect_vreg.scatter [tilespmem:s4], [sflag:$0x1], $0x80, v3, vm0, $0xb8;
	[tilespmem:$0x10080] =	vst v63  }
0x59: {  	s20 =	simm.s32 $0xB880  }
0x5a: {  	[hbm4b:s7+s2] =	stream.indirect_vreg.scatter [tilespmem:s20], [sflag:$0x1], $0x80, v3, vm0, $0xb8;
	[tilespmem:$0x10080] =	vst v63  }
0x5b: {  	v3 =	vld [tilespmem:$0x30];
	_ =	sdelay $0x4  }
0x5c: {  	v59 =	vshll.u32 v3, $0x3  }
0x5d: {  	v3 =	vand.u32 $0x7, v3;
	v4 =	vand.u32 $0xFFFFFFC0, v59  }
0x5e: {  	v3 =	vor.u32 v3, v4  }
0x5f: {  	v4 =	vperm.xlane v3, v0;
	_ =	sdelay $0x1  }
0x60: {  	v4 =	vadd.s32 v1, v4;
	_ =	sdelay $0x3  }
0x61: {  	s20 =	simm.s32 $0xC080  }
0x62: {  	[hbm4b:s3+s2] =	stream.indirect_vreg.scatter [tilespmem:s20], [sflag:$0x1], $0x80, v4, vm0, $0xb8;
	[tilespmem:$0x10080] =	vst v63  }
0x63: {  	v3 =	vperm.xlane v3, v2;
	s20 =	simm.s32 $0xC880  }
0x64: {  	[hbm4b:s5+s2] =	stream.indirect_vreg.scatter [tilespmem:s20], [sflag:$0x1], $0x80, v4, vm0, $0xb8;
	[tilespmem:$0x10080] =	vst v63  }
0x65: {  	v3 =	vadd.s32 v1, v3;
	s20 =	simm.s32 $0xD080  }
0x66: {  	[hbm4b:s6+s2] =	stream.indirect_vreg.scatter [tilespmem:s20], [sflag:$0x1], $0x80, v4, vm0, $0xb8;
	[tilespmem:$0x10080] =	vst v63  }
0x67: {  	s20 =	simm.s32 $0xD880  }
0x68: {  	[hbm4b:s7+s2] =	stream.indirect_vreg.scatter [tilespmem:s20], [sflag:$0x1], $0x80, v4, vm0, $0xb8;
	[tilespmem:$0x10080] =	vst v63  }
0x69: {  	s20 =	simm.s32 $0xE080  }
0x6a: {  	[hbm4b:s3+s2] =	stream.indirect_vreg.scatter [tilespmem:s20], [sflag:$0x1], $0x80, v3, vm0, $0xb8;
	[tilespmem:$0x10080] =	vst v63  }
0x6b: {  	s20 =	simm.s32 $0xE880  }
0x6c: {  	[hbm4b:s5+s2] =	stream.indirect_vreg.scatter [tilespmem:s20], [sflag:$0x1], $0x80, v3, vm0, $0xb8;
	[tilespmem:$0x10080] =	vst v63  }
0x6d: {  	s20 =	simm.s32 $0xF080  }
0x6e: {  	[hbm4b:s6+s2] =	stream.indirect_vreg.scatter [tilespmem:s20], [sflag:$0x1], $0x80, v3, vm0, $0xb8;
	[tilespmem:$0x10080] =	vst v63  }
0x6f: {  	s20 =	simm.s32 $0xF880  }
0x70: {  	[hbm4b:s7+s2] =	stream.indirect_vreg.scatter [tilespmem:s20], [sflag:$0x1], $0x80, v3, vm0, $0xb8;
	[tilespmem:$0x10080] =	vst v63  }
0x71: {  	_ =	swait.ge [sflag:s10], $0x10000  }
0x72: {  	[sflag:s10] =	ssyncset.done $0x0  }
0x73: {  	[sflag:s10] =	ssyncadd.s32 $0xFFFF0000  }
0x74: {  	[tilespmem:s0], [sflag:$0x1] =	stream.linear.gather [hbm4b:s9+s2], $0x10000, $0x38;
	[tilespmem:$0x10080] =	vst v63  }
0x75: {  	_ =	swait.ge [sflag:s10], $0x10000  }
0x76: {  	[sflag:s10] =	ssyncset.done $0x0  }
0x77: {  	s9 =	rddreg [dreg:$0x4];
	[sflag:s10] =	ssyncadd.s32 $0xFFFF0000  }
0x78: {  	[tilespmem:s2], [sflag:$0x1] =	stream.linear.gather [hbm4b:s9+s2], $0x40, $0x38;
	[tilespmem:$0x10080] =	vst v63  }
0x79: {  	_ =	swait.ge [sflag:s10], $0x40  }
0x7a: {  	[sflag:s10] =	ssyncset.done $0x0  }
0x7b: {  	[sflag:s10] =	ssyncadd.s32 $0xFFFFFFC0  }
0x7c: {  	v3 =	vld [tilespmem:$0x0];
	_ =	sdelay $0x4  }
0x7d: {  	v60 =	vshll.u32 v3, $0x3  }
0x7e: {  	v3 =	vand.u32 $0x7, v3;
	v4 =	vand.u32 $0xFFFFFFC0, v60  }
0x7f: {  	v3 =	vor.u32 v3, v4  }
0x80: {  	v4 =	vperm.xlane v3, v0;
	_ =	sdelay $0x1  }
0x81: {  	v4 =	vadd.s32 v1, v4;
	_ =	sdelay $0x4  }
0x82: {  	[hbm4b:s3+s2] =	stream.indirect_vreg.scatter [tilespmem:s0], [sflag:$0x1], $0x80, v4, vm0, $0xb8;
	[tilespmem:$0x10080] =	vst v63  }
0x83: {  	v3 =	vperm.xlane v3, v2  }
0x84: {  	[hbm4b:s5+s2] =	stream.indirect_vreg.scatter [tilespmem:s21], [sflag:$0x1], $0x80, v4, vm0, $0xb8;
	[tilespmem:$0x10080] =	vst v63  }
0x85: {  	v3 =	vadd.s32 v1, v3  }
0x86: {  	[hbm4b:s6+s2] =	stream.indirect_vreg.scatter [tilespmem:s22], [sflag:$0x1], $0x80, v4, vm0, $0xb8;
	[tilespmem:$0x10080] =	vst v63  }
0x87: {  	_ = 	snop  }
0x88: {  	[hbm4b:s7+s2] =	stream.indirect_vreg.scatter [tilespmem:s23], [sflag:$0x1], $0x80, v4, vm0, $0xb8;
	[tilespmem:$0x10080] =	vst v63  }
0x89: {  	_ = 	snop  }
0x8a: {  	[hbm4b:s3+s2] =	stream.indirect_vreg.scatter [tilespmem:s24], [sflag:$0x1], $0x80, v3, vm0, $0xb8;
	[tilespmem:$0x10080] =	vst v63  }
0x8b: {  	_ = 	snop  }
0x8c: {  	[hbm4b:s5+s2] =	stream.indirect_vreg.scatter [tilespmem:s25], [sflag:$0x1], $0x80, v3, vm0, $0xb8;
	[tilespmem:$0x10080] =	vst v63  }
0x8d: {  	_ = 	snop  }
0x8e: {  	[hbm4b:s6+s2] =	stream.indirect_vreg.scatter [tilespmem:s26], [sflag:$0x1], $0x80, v3, vm0, $0xb8;
	[tilespmem:$0x10080] =	vst v63  }
0x8f: {  	_ = 	snop  }
0x90: {  	[hbm4b:s7+s2] =	stream.indirect_vreg.scatter [tilespmem:s28], [sflag:$0x1], $0x80, v3, vm0, $0xb8;
	[tilespmem:$0x10080] =	vst v63  }
0x91: {  	v3 =	vld [tilespmem:$0x10];
	_ =	sdelay $0x4  }
0x92: {  	v61 =	vshll.u32 v3, $0x3  }
0x93: {  	v3 =	vand.u32 $0x7, v3;
	v4 =	vand.u32 $0xFFFFFFC0, v61  }
0x94: {  	v3 =	vor.u32 v3, v4  }
0x95: {  	v4 =	vperm.xlane v3, v0;
	_ =	sdelay $0x1  }
0x96: {  	v4 =	vadd.s32 v1, v4;
	_ =	sdelay $0x4  }
0x97: {  	[hbm4b:s3+s2] =	stream.indirect_vreg.scatter [tilespmem:s29], [sflag:$0x1], $0x80, v4, vm0, $0xb8;
	[tilespmem:$0x10080] =	vst v63  }
0x98: {  	v3 =	vperm.xlane v3, v2  }
0x99: {  	[hbm4b:s5+s2] =	stream.indirect_vreg.scatter [tilespmem:s30], [sflag:$0x1], $0x80, v4, vm0, $0xb8;
	[tilespmem:$0x10080] =	vst v63  }
0x9a: {  	v3 =	vadd.s32 v1, v3  }
0x9b: {  	[hbm4b:s6+s2] =	stream.indirect_vreg.scatter [tilespmem:s31], [sflag:$0x1], $0x80, v4, vm0, $0xb8;
	[tilespmem:$0x10080] =	vst v63  }
0x9c: {  	s20 =	simm.s32 $0x5880  }
0x9d: {  	[hbm4b:s7+s2] =	stream.indirect_vreg.scatter [tilespmem:s20], [sflag:$0x1], $0x80, v4, vm0, $0xb8;
	[tilespmem:$0x10080] =	vst v63  }
0x9e: {  	_ = 	snop  }
0x9f: {  	[hbm4b:s3+s2] =	stream.indirect_vreg.scatter [tilespmem:s1], [sflag:$0x1], $0x80, v3, vm0, $0xb8;
	[tilespmem:$0x10080] =	vst v63  }
0xa0: {  	_ = 	snop  }
0xa1: {  	[hbm4b:s5+s2] =	stream.indirect_vreg.scatter [tilespmem:s11], [sflag:$0x1], $0x80, v3, vm0, $0xb8;
	[tilespmem:$0x10080] =	vst v63  }
0xa2: {  	_ = 	snop  }
0xa3: {  	[hbm4b:s6+s2] =	stream.indirect_vreg.scatter [tilespmem:s12], [sflag:$0x1], $0x80, v3, vm0, $0xb8;
	[tilespmem:$0x10080] =	vst v63  }
0xa4: {  	_ = 	snop  }
0xa5: {  	[hbm4b:s7+s2] =	stream.indirect_vreg.scatter [tilespmem:s13], [sflag:$0x1], $0x80, v3, vm0, $0xb8;
	[tilespmem:$0x10080] =	vst v63  }
0xa6: {  	v3 =	vld [tilespmem:$0x20];
	_ =	sdelay $0x4  }
0xa7: {  	v62 =	vshll.u32 v3, $0x3  }
0xa8: {  	v3 =	vand.u32 $0x7, v3;
	v4 =	vand.u32 $0xFFFFFFC0, v62  }
0xa9: {  	v3 =	vor.u32 v3, v4  }
0xaa: {  	v4 =	vperm.xlane v3, v0;
	_ =	sdelay $0x1  }
0xab: {  	v4 =	vadd.s32 v1, v4;
	_ =	sdelay $0x4  }
0xac: {  	[hbm4b:s3+s2] =	stream.indirect_vreg.scatter [tilespmem:s14], [sflag:$0x1], $0x80, v4, vm0, $0xb8;
	[tilespmem:$0x10080] =	vst v63  }
0xad: {  	v3 =	vperm.xlane v3, v2  }
0xae: {  	[hbm4b:s5+s2] =	stream.indirect_vreg.scatter [tilespmem:s15], [sflag:$0x1], $0x80, v4, vm0, $0xb8;
	[tilespmem:$0x10080] =	vst v63  }
0xaf: {  	v3 =	vadd.s32 v1, v3  }
0xb0: {  	[hbm4b:s6+s2] =	stream.indirect_vreg.scatter [tilespmem:s16], [sflag:$0x1], $0x80, v4, vm0, $0xb8;
	[tilespmem:$0x10080] =	vst v63  }
0xb1: {  	_ = 	snop  }
0xb2: {  	[hbm4b:s7+s2] =	stream.indirect_vreg.scatter [tilespmem:s17], [sflag:$0x1], $0x80, v4, vm0, $0xb8;
	[tilespmem:$0x10080] =	vst v63  }
0xb3: {  	_ = 	snop  }
0xb4: {  	[hbm4b:s3+s2] =	stream.indirect_vreg.scatter [tilespmem:s18], [sflag:$0x1], $0x80, v3, vm0, $0xb8;
	[tilespmem:$0x10080] =	vst v63  }
0xb5: {  	_ = 	snop  }
0xb6: {  	[hbm4b:s5+s2] =	stream.indirect_vreg.scatter [tilespmem:s19], [sflag:$0x1], $0x80, v3, vm0, $0xb8;
	[tilespmem:$0x10080] =	vst v63  }
0xb7: {  	_ = 	snop  }
0xb8: {  	[hbm4b:s6+s2] =	stream.indirect_vreg.scatter [tilespmem:s4], [sflag:$0x1], $0x80, v3, vm0, $0xb8;
	[tilespmem:$0x10080] =	vst v63  }
0xb9: {  	s1 =	simm.s32 $0xB880  }
0xba: {  	[hbm4b:s7+s2] =	stream.indirect_vreg.scatter [tilespmem:s1], [sflag:$0x1], $0x80, v3, vm0, $0xb8;
	[tilespmem:$0x10080] =	vst v63  }
0xbb: {  	v3 =	vld [tilespmem:$0x30];
	_ =	sdelay $0x4  }
0xbc: {  	v63 =	vshll.u32 v3, $0x3  }
0xbd: {  	v3 =	vand.u32 $0x7, v3;
	v4 =	vand.u32 $0xFFFFFFC0, v63  }
0xbe: {  	v3 =	vor.u32 v3, v4  }
0xbf: {  	v4 =	vperm.xlane v3, v0;
	_ =	sdelay $0x1  }
0xc0: {  	v4 =	vadd.s32 v1, v4;
	_ =	sdelay $0x3  }
0xc1: {  	s9 =	simm.s32 $0xC080  }
0xc2: {  	[hbm4b:s3+s2] =	stream.indirect_vreg.scatter [tilespmem:s9], [sflag:$0x1], $0x80, v4, vm0, $0xb8;
	[tilespmem:$0x10080] =	vst v63  }
0xc3: {  	s20 =	simm.s32 $0xC880;
	v3 =	vperm.xlane v3, v2  }
0xc4: {  	[hbm4b:s5+s2] =	stream.indirect_vreg.scatter [tilespmem:s20], [sflag:$0x1], $0x80, v4, vm0, $0xb8;
	[tilespmem:$0x10080] =	vst v63  }
0xc5: {  	s1 =	simm.s32 $0xD080;
	v3 =	vadd.s32 v1, v3  }
0xc6: {  	[hbm4b:s6+s2] =	stream.indirect_vreg.scatter [tilespmem:s1], [sflag:$0x1], $0x80, v4, vm0, $0xb8;
	[tilespmem:$0x10080] =	vst v63  }
0xc7: {  	s9 =	simm.s32 $0xD880  }
0xc8: {  	[hbm4b:s7+s2] =	stream.indirect_vreg.scatter [tilespmem:s9], [sflag:$0x1], $0x80, v4, vm0, $0xb8;
	[tilespmem:$0x10080] =	vst v63  }
0xc9: {  	s20 =	simm.s32 $0xE080  }
0xca: {  	[hbm4b:s3+s2] =	stream.indirect_vreg.scatter [tilespmem:s20], [sflag:$0x1], $0x80, v3, vm0, $0xb8;
	[tilespmem:$0x10080] =	vst v63  }
0xcb: {  	s1 =	simm.s32 $0xE880  }
0xcc: {  	[hbm4b:s5+s2] =	stream.indirect_vreg.scatter [tilespmem:s1], [sflag:$0x1], $0x80, v3, vm0, $0xb8;
	[tilespmem:$0x10080] =	vst v63  }
0xcd: {  	p0 =	sne.s32 s8, $0x1;
	s9 =	simm.s32 $0xF080  }
0xce: {  	[hbm4b:s6+s2] =	stream.indirect_vreg.scatter [tilespmem:s9], [sflag:$0x1], $0x80, v3, vm0, $0xb8;
	[tilespmem:$0x10080] =	vst v63  }
.Ltmp0:
0xcf: {  	s20 =	simm.s32 $0xF880;
	(pc) =	sbr.rel @p0 .LBB2_1-.Ltmp0, $4  }
0xd0: {  	[hbm4b:s7+s2] =	stream.indirect_vreg.scatter [tilespmem:s20], [sflag:$0x1], $0x80, v3, vm0, $0xb8;
	[tilespmem:$0x10080] =	vst v63  }
0xd1: {  	_ =	swait.ge [sflag:s10], $0x10000  }
0xd2: {  	[sflag:s10] =	ssyncset.done $0x0  }
0xd3: {  	s8 =	sadd.s32 $0xFFFFFFFF, s8;
	[sflag:s10] =	ssyncadd.s32 $0xFFFF0000  }
0xd4: {  	_ =	sfence.sel $0x180000  }
0xd5: {  	[bflag:$0x0] =	sbarrier.arrive $0xFFFF  }
0xd6: {  	_ =	strace $0x90000047  }
0xd7: {  	s0 =	stileid.u32;
	[bflag:$0x2] =	sbarrier.arrive $0xFFFF  }
0xd8: {  	p0 =	sne.s32 s0, $0x0;
	s0 =	rddreg [dreg:$0x2]  }
0xd9: {  	s0 =	sadd.s32 @!p0 $0x100000, s0  }
0xda: {  	[sflag:s0] =	ssyncadd.tile.s32 @!p0 $0x1;
	_ =	shalt  }
.Lfunc_end2:
_tile_overlayer_lowered:
.L_overlay_start_2:
0xdb: {  	(tag) =	ssettag $0x2  }
0xdc: {  	s0 =	rddreg [dreg:$0x0];
	s2 =	stileid.u32  }
0xdd: {  	s1 =	rddreg [dreg:$0x1];
	p0 =	sne.s32 s2, $0x0  }
0xde: {  	s3 =	rddreg [dreg:$0x2];
	[bflag:$0x3] =	sbarrier.arrive $0xFFFF;
	s2 =	simm.s32 @!p0 $0x1C01  }
0xdf: {  	[timem:s3], [sflag:s2] =	dma.local @!p0 [hbm:s0], s1  }
0xe0: {  	s0 =	simm.s32 @!p0 $0x1  }
0xe1: {  	_ =	swait.ge @!p0 [sflag:s0], s1  }
0xe2: {  	s1 =	ssub.s32 @!p0 $0x0, s1;
	[sflag:s0] =	ssyncset.done @!p0 $0x0  }
0xe3: {  	[sflag:s0] =	ssyncadd.s32 @!p0 s1  }
0xe4: {  	[bflag:$0x3] =	sbarrier.arrive $0xFFFF  }
0xe5: {  	_ =	shalt  }

</sc_bundles>
